<compile_context>
chip_gen: v7x
topology: tpu7x:2x2x1
jax: 0.10.2.dev20260603
libtpu: 0.0.44.dev20260713+nightly
codegen_flags: <defaults>
</compile_context>

<pallas_src>
import functools

import jax
import jax.numpy as jnp
from jax import lax
from jax.experimental import pallas as pl
from jax.experimental.pallas import tpu as pltpu
from jax.experimental.pallas import tpu_sc as plsc

N_NODES = 10000
N_EDGES = 320000
D_FEAT = 128
HIDDEN = 16
N_CLASSES = 40

NC = 2
NS = 16
NW = NC * NS

CHUNK = 128
ROWS_IDX = N_EDGES // CHUNK
K_LO = ROWS_IDX // NW
K_HI = K_LO + 1
N_HI = ROWS_IDX - NW * K_LO
KCEIL = 80
N_PAD = 10112
ROWS_T = N_PAD // NS


def _matmul1_body(x_ref, w_ref, o_ref):
    o_ref[:N_NODES] = jnp.dot(x_ref[...], w_ref[...],
                              preferred_element_type=jnp.float32)


def _combine_matmul2_body(p_ref, w_ref, o_ref):
    o_ref[...] = jnp.dot(p_ref[0] + p_ref[1], w_ref[...],
                         preferred_element_type=jnp.float32)


def _make_segsum(d: int, combine: bool):
    mesh = plsc.VectorSubcoreMesh(core_axis_name="c", subcore_axis_name="s")
    scratch = [
        pltpu.VMEM((K_HI * CHUNK,), jnp.int32),
        pltpu.VMEM((K_HI * CHUNK,), jnp.int32),
        pltpu.VMEM((4, CHUNK, d), jnp.float32),
        pltpu.VMEM_SHARED((N_PAD, d), jnp.float32),
        pltpu.VMEM_SHARED((N_PAD, d), jnp.float32),
        pltpu.SemaphoreType.DMA((4,)),
        pltpu.SemaphoreType.DMA((4,)),
    ]
    if combine:
        scratch += [
            pltpu.VMEM((ROWS_T, d), jnp.float32),
            pltpu.VMEM((ROWS_T, d), jnp.float32),
        ]

    @functools.partial(
        pl.kernel,
        out_type=jax.ShapeDtypeStruct((NC, N_PAD, d), jnp.float32),
        mesh=mesh,
        scratch_types=scratch,
        compiler_params=pltpu.CompilerParams(use_tc_tiling_on_sc=False),
    )
    def segsum(edge_hbm, h_hbm, zeros_hbm, out_hbm,
               sidx, didx, ring, acc, hsp, sg, ss, *tbuf):
        c = lax.axis_index("c")
        s = lax.axis_index("s")
        wid = s * NC + c
        kw = jnp.where(wid < NW - N_HI, K_LO, K_HI)

        pltpu.sync_copy(zeros_hbm.at[pl.ds(s * ROWS_T, ROWS_T)],
                        acc.at[pl.ds(s * ROWS_T, ROWS_T)])
        if combine:
            t0, t1 = tbuf
            pltpu.sync_copy(h_hbm.at[0, pl.ds(s * ROWS_T, ROWS_T)], t0)
            pltpu.sync_copy(h_hbm.at[1, pl.ds(s * ROWS_T, ROWS_T)], t1)

            @pl.loop(0, ROWS_T)
            def _(i):
                t0[i] = jnp.maximum(t0[i] + t1[i], 0.0)

            pltpu.sync_copy(t0, hsp.at[pl.ds(s * ROWS_T, ROWS_T)])
        else:
            pltpu.sync_copy(h_hbm.at[pl.ds(s * ROWS_T, ROWS_T)],
                            hsp.at[pl.ds(s * ROWS_T, ROWS_T)])
        plsc.subcore_barrier()

        base = jnp.where(wid < NW - N_HI, K_LO * wid,
                         K_LO * (NW - N_HI) + K_HI * (wid - (NW - N_HI)))
        pltpu.sync_copy(edge_hbm.at[0, pl.ds(base * CHUNK, K_HI * CHUNK)],
                        sidx)
        pltpu.sync_copy(edge_hbm.at[1, pl.ds(base * CHUNK, K_HI * CHUNK)],
                        didx)

        NB = 4
        for b in range(3):
            pltpu.async_copy(hsp.at[sidx.at[pl.ds(b * CHUNK, CHUNK)]],
                             ring.at[b], sg.at[b])

        @pl.loop(0, KCEIL, step=NB)
        def _(j):
            for b in range(NB):
                jb = j + b

                @pl.when(jb < kw)
                def _():
                    dwin = didx.at[pl.ds(jb * CHUNK, CHUNK)]
                    pltpu.make_async_copy(
                        hsp.at[sidx.at[pl.ds(jb * CHUNK, CHUNK)]],
                        ring.at[b], sg.at[b]).wait()
                    pltpu.async_copy(ring.at[b], acc.at[dwin],
                                     ss.at[b], add=True)
                    nb = (b + 3) % NB

                    @pl.when(jb + 3 < kw)
                    def _():
                        @pl.when(jb >= 1)
                        def _():
                            pltpu.make_async_copy(
                                ring.at[nb], acc.at[dwin],
                                ss.at[nb]).wait()

                        pltpu.async_copy(
                            hsp.at[sidx.at[pl.ds((jb + 3) * CHUNK, CHUNK)]],
                            ring.at[nb], sg.at[nb])

        for b in range(NB):
            pltpu.make_async_copy(ring.at[b],
                                  acc.at[didx.at[pl.ds(0, CHUNK)]],
                                  ss.at[b]).wait()

        plsc.subcore_barrier()

        pltpu.sync_copy(acc.at[pl.ds(s * ROWS_T, ROWS_T)],
                        out_hbm.at[c, pl.ds(s * ROWS_T, ROWS_T)])

    return segsum


_segsum_h = _make_segsum(HIDDEN, combine=False)
_segsum_hc = _make_segsum(HIDDEN, combine=True)


def kernel(features, edge_index, weight1, weight2):
    edges = edge_index.astype(jnp.int32)
    zeros_h = jnp.zeros((N_PAD, HIDDEN), jnp.float32)

    h1 = pl.pallas_call(
        _matmul1_body,
        out_shape=jax.ShapeDtypeStruct((N_PAD, HIDDEN), jnp.float32),
    )(features, weight1)

    p1 = _segsum_h(edges, h1, zeros_h)

    p2 = _segsum_hc(edges, p1, zeros_h)

    w2s = jnp.kron(jnp.eye(8, dtype=jnp.float32), weight2)
    t = pl.pallas_call(
        _combine_matmul2_body,
        out_shape=jax.ShapeDtypeStruct((N_PAD // 8, 8 * N_CLASSES),
                                       jnp.float32),
    )(p2.reshape(NC, N_PAD * HIDDEN // 128, 128), w2s)
    return t.reshape(N_PAD, N_CLASSES)[:N_NODES]

# --- scband reference (transcript-rebuilt; emitter-appended) ---
"""Pipeline reference for scband-decouple-gcn-86844238725530 (READ-ONLY COPY).

The authoritative reference and input builder live on the scoring server;
editing this copy changes nothing except your own understanding.
"""

import jax, jax.numpy as jnp
import numpy as np

N_NODES = 10000
N_EDGES = 320000
D_FEAT = 128
HIDDEN = 16
N_CLASSES = 40


def setup_inputs(seed: int = 0) -> dict:
    key = jax.random.key(seed)
    k1, k2, k3, k4 = jax.random.split(key, 4)
    features = jax.random.normal(k1, (N_NODES, D_FEAT), dtype=jnp.float32)
    edge_index = jax.random.randint(k2, (2, N_EDGES), 0, N_NODES, dtype=jnp.int64)
    # xavier_uniform init for the two weights, matching nn.init.xavier_uniform_
    lim1 = float(np.sqrt(6.0 / (D_FEAT + HIDDEN)))
    lim2 = float(np.sqrt(6.0 / (HIDDEN + N_CLASSES)))
    weight1 = jax.random.uniform(k3, (D_FEAT, HIDDEN), dtype=jnp.float32, minval=-lim1, maxval=lim1)
    weight2 = jax.random.uniform(k4, (HIDDEN, N_CLASSES), dtype=jnp.float32, minval=-lim2, maxval=lim2)
    return {"features": features, "edge_index": edge_index, "weight1": weight1, "weight2": weight2}


def _gcn_layer(x, weight, edge_index):
    # DistGCNLayer semantics: SpMM(A, X @ W). Locally: dense matmul then
    # edge-wise gather from src nodes and scatter-add into dst nodes.
    h = x @ weight
    src = edge_index[0]
    dst = edge_index[1]
    msgs = jnp.take(h, src, axis=0)
    return jax.ops.segment_sum(msgs, dst, num_segments=N_NODES)


def reference(features, edge_index, weight1, weight2):
    hidden = jax.nn.relu(_gcn_layer(features, weight1, edge_index))
    outputs = _gcn_layer(hidden, weight2, edge_index)
    return outputs

if __name__ == "__main__":
    import jax
    _d = setup_inputs()
    print(jax.jit(kernel)(*tuple(_d.values())))

</pallas_src>

<mosaic_0001>
#map = affine_map<(d0, d1) -> (0, 0)>
#map1 = affine_map<(d0, d1) -> (0, 0, 0)>
module attributes {stable_mosaic.version = 14 : i64} {
  func.func @segsum(%arg0: i32, %arg1: i32, %arg2: memref<2x320000xi32, #tpu.memory_space<hbm>>, %arg3: memref<10112x16xf32, #tpu.memory_space<hbm>>, %arg4: memref<10112x16xf32, #tpu.memory_space<hbm>>, %arg5: memref<2x10112x16xf32, #tpu.memory_space<hbm>>, %arg6: memref<10112xi32, #tpu.memory_space<vmem>>, %arg7: memref<10112xi32, #tpu.memory_space<vmem>>, %arg8: memref<4x128x16xf32, #tpu.memory_space<vmem>>, %arg9: memref<10112x16xf32, #tpu.memory_space<vmem_shared>>, %arg10: memref<10112x16xf32, #tpu.memory_space<vmem_shared>>, %arg11: memref<4x!tpu.dma_semaphore, #tpu.memory_space<semaphore_mem>>, %arg12: memref<4x!tpu.dma_semaphore, #tpu.memory_space<semaphore_mem>>) attributes {dimension_semantics = [#tpu.dimension_semantics<core_parallel>, #tpu.dimension_semantics<subcore_parallel>], iteration_bounds = array<i64: 2, 16>, scalar_prefetch = 0 : i64, scratch_operands = 7 : i64, tpu.core_type = #tpu.core_type<sc_vector_subcore>, window_params = [{transform_indices = #map}, {transform_indices = #map}, {transform_indices = #map}, {transform_indices = #map1}]} {
    %mul3A = arith.constant 2 : i32
    %mul3A_0 = arith.muli %arg1, %mul3A : i32
    %add3A = arith.addi %mul3A_0, %arg0 : i32
    %lt3A = arith.constant 28 : i32
    %lt3A_1 = arith.cmpi slt, %add3A, %lt3A : i32
    %jit3A = arith.constant 78 : i32
    %jit3A_2 = arith.constant 79 : i32
    %select_n3A = arith.select %lt3A_1, %jit3A, %jit3A_2 : i32
    %mul3A_3 = arith.constant 632 : i32
    %mul3A_4 = arith.muli %arg1, %mul3A_3 : i32
    %mul3A_5 = arith.constant 632 : i32
    %mul3A_6 = arith.muli %arg1, %mul3A_5 : i32
    "tpu.region"() ({
      %run_scoped3A_124 = tpu.sem_alloc : memref<!tpu.dma_semaphore, #tpu.memory_space<semaphore_mem>>
      %dma_start3A_125 = arith.constant 0 : i32
      %dma_start3A_126 = tpu.memref_slice %arg9[%mul3A_6, %dma_start3A_125] : memref<10112x16xf32, #tpu.memory_space<vmem_shared>> -> memref<632x16xf32, #tpu.memory_space<vmem_shared>>
      %dma_start3A_127 = arith.constant 0 : i32
      %dma_start3A_128 = tpu.memref_slice %arg4[%mul3A_4, %dma_start3A_127] : memref<10112x16xf32, #tpu.memory_space<hbm>> -> memref<632x16xf32, #tpu.memory_space<hbm>>
      tpu.enqueue_dma source(%dma_start3A_128 : memref<632x16xf32, #tpu.memory_space<hbm>>) target(%dma_start3A_126 : memref<632x16xf32, #tpu.memory_space<vmem_shared>>) target_semaphore(%run_scoped3A_124 : memref<!tpu.dma_semaphore, #tpu.memory_space<semaphore_mem>>)
      %dma_wait3A_129 = arith.constant 0 : i32
      %dma_wait3A_130 = tpu.memref_slice %arg9[%mul3A_6, %dma_wait3A_129] : memref<10112x16xf32, #tpu.memory_space<vmem_shared>> -> memref<632x16xf32, #tpu.memory_space<vmem_shared>>
      %dma_wait3A_131 = arith.constant 0 : i32
      %dma_wait3A_132 = tpu.memref_slice %arg4[%mul3A_4, %dma_wait3A_131] : memref<10112x16xf32, #tpu.memory_space<hbm>> -> memref<632x16xf32, #tpu.memory_space<hbm>>
      tpu.wait_dma2 semaphore(%run_scoped3A_124 : memref<!tpu.dma_semaphore, #tpu.memory_space<semaphore_mem>>) src(%dma_wait3A_132 : memref<632x16xf32, #tpu.memory_space<hbm>>) dst(%dma_wait3A_130 : memref<632x16xf32, #tpu.memory_space<vmem_shared>>)
      tpu.yield
    }) : () -> ()
    %mul3A_7 = arith.constant 632 : i32
    %mul3A_8 = arith.muli %arg1, %mul3A_7 : i32
    %mul3A_9 = arith.constant 632 : i32
    %mul3A_10 = arith.muli %arg1, %mul3A_9 : i32
    "tpu.region"() ({
      %run_scoped3A_124 = tpu.sem_alloc : memref<!tpu.dma_semaphore, #tpu.memory_space<semaphore_mem>>
      %dma_start3A_125 = arith.constant 0 : i32
      %dma_start3A_126 = tpu.memref_slice %arg10[%mul3A_10, %dma_start3A_125] : memref<10112x16xf32, #tpu.memory_space<vmem_shared>> -> memref<632x16xf32, #tpu.memory_space<vmem_shared>>
      %dma_start3A_127 = arith.constant 0 : i32
      %dma_start3A_128 = tpu.memref_slice %arg3[%mul3A_8, %dma_start3A_127] : memref<10112x16xf32, #tpu.memory_space<hbm>> -> memref<632x16xf32, #tpu.memory_space<hbm>>
      tpu.enqueue_dma source(%dma_start3A_128 : memref<632x16xf32, #tpu.memory_space<hbm>>) target(%dma_start3A_126 : memref<632x16xf32, #tpu.memory_space<vmem_shared>>) target_semaphore(%run_scoped3A_124 : memref<!tpu.dma_semaphore, #tpu.memory_space<semaphore_mem>>)
      %dma_wait3A_129 = arith.constant 0 : i32
      %dma_wait3A_130 = tpu.memref_slice %arg10[%mul3A_10, %dma_wait3A_129] : memref<10112x16xf32, #tpu.memory_space<vmem_shared>> -> memref<632x16xf32, #tpu.memory_space<vmem_shared>>
      %dma_wait3A_131 = arith.constant 0 : i32
      %dma_wait3A_132 = tpu.memref_slice %arg3[%mul3A_8, %dma_wait3A_131] : memref<10112x16xf32, #tpu.memory_space<hbm>> -> memref<632x16xf32, #tpu.memory_space<hbm>>
      tpu.wait_dma2 semaphore(%run_scoped3A_124 : memref<!tpu.dma_semaphore, #tpu.memory_space<semaphore_mem>>) src(%dma_wait3A_132 : memref<632x16xf32, #tpu.memory_space<hbm>>) dst(%dma_wait3A_130 : memref<632x16xf32, #tpu.memory_space<vmem_shared>>)
      tpu.yield
    }) : () -> ()
    %barrier3A = arith.constant 0 : index
    tpu.barrier barrier_id(%barrier3A)
    %lt3A_11 = arith.constant 28 : i32
    %lt3A_12 = arith.cmpi slt, %add3A, %lt3A_11 : i32
    %mul3A_13 = arith.constant 78 : i32
    %mul3A_14 = arith.muli %mul3A_13, %add3A : i32
    %sub3A = arith.constant 28 : i32
    %sub3A_15 = arith.subi %add3A, %sub3A : i32
    %mul3A_16 = arith.constant 79 : i32
    %mul3A_17 = arith.muli %mul3A_16, %sub3A_15 : i32
    %add3A_18 = arith.constant 2184 : i32
    %add3A_19 = arith.addi %add3A_18, %mul3A_17 : i32
    %select_n3A_20 = arith.select %lt3A_12, %mul3A_14, %add3A_19 : i32
    %mul3A_21 = arith.constant 128 : i32
    %mul3A_22 = arith.muli %select_n3A_20, %mul3A_21 : i32
    %run_scoped3A = arith.constant 0 : i32
    "tpu.region"() ({
      %run_scoped3A_124 = tpu.sem_alloc : memref<!tpu.dma_semaphore, #tpu.memory_space<semaphore_mem>>
      %dma_start3A_125 = tpu.memref_slice %arg2[%run_scoped3A, %mul3A_22] : memref<2x320000xi32, #tpu.memory_space<hbm>> -> memref<1x10112xi32, #tpu.memory_space<hbm>>
      %dma_start3A_126 = tpu.memref_squeeze %dma_start3A_125 : memref<1x10112xi32, #tpu.memory_space<hbm>> -> memref<10112xi32, #tpu.memory_space<hbm>>
      %dma_start3A_127 = tpu.memref_slice %arg2[%run_scoped3A, %mul3A_22] : memref<2x320000xi32, #tpu.memory_space<hbm>> -> memref<1x10112xi32, #tpu.memory_space<hbm>>
      %dma_start3A_128 = tpu.memref_squeeze %dma_start3A_127 : memref<1x10112xi32, #tpu.memory_space<hbm>> -> memref<10112xi32, #tpu.memory_space<hbm>>
      tpu.enqueue_dma source(%dma_start3A_128 : memref<10112xi32, #tpu.memory_space<hbm>>) target(%arg6 : memref<10112xi32, #tpu.memory_space<vmem>>) target_semaphore(%run_scoped3A_124 : memref<!tpu.dma_semaphore, #tpu.memory_space<semaphore_mem>>)
      %dma_wait3A_129 = tpu.memref_slice %arg2[%run_scoped3A, %mul3A_22] : memref<2x320000xi32, #tpu.memory_space<hbm>> -> memref<1x10112xi32, #tpu.memory_space<hbm>>
      %dma_wait3A_130 = tpu.memref_squeeze %dma_wait3A_129 : memref<1x10112xi32, #tpu.memory_space<hbm>> -> memref<10112xi32, #tpu.memory_space<hbm>>
      %dma_wait3A_131 = tpu.memref_slice %arg2[%run_scoped3A, %mul3A_22] : memref<2x320000xi32, #tpu.memory_space<hbm>> -> memref<1x10112xi32, #tpu.memory_space<hbm>>
      %dma_wait3A_132 = tpu.memref_squeeze %dma_wait3A_131 : memref<1x10112xi32, #tpu.memory_space<hbm>> -> memref<10112xi32, #tpu.memory_space<hbm>>
      tpu.wait_dma2 semaphore(%run_scoped3A_124 : memref<!tpu.dma_semaphore, #tpu.memory_space<semaphore_mem>>) src(%dma_wait3A_132 : memref<10112xi32, #tpu.memory_space<hbm>>) dst(%arg6 : memref<10112xi32, #tpu.memory_space<vmem>>)
      tpu.yield
    }) : () -> ()
    %mul3A_23 = arith.constant 128 : i32
    %mul3A_24 = arith.muli %select_n3A_20, %mul3A_23 : i32
    %run_scoped3A_25 = arith.constant 1 : i32
    "tpu.region"() ({
      %run_scoped3A_124 = tpu.sem_alloc : memref<!tpu.dma_semaphore, #tpu.memory_space<semaphore_mem>>
      %dma_start3A_125 = tpu.memref_slice %arg2[%run_scoped3A_25, %mul3A_24] : memref<2x320000xi32, #tpu.memory_space<hbm>> -> memref<1x10112xi32, #tpu.memory_space<hbm>>
      %dma_start3A_126 = tpu.memref_squeeze %dma_start3A_125 : memref<1x10112xi32, #tpu.memory_space<hbm>> -> memref<10112xi32, #tpu.memory_space<hbm>>
      %dma_start3A_127 = tpu.memref_slice %arg2[%run_scoped3A_25, %mul3A_24] : memref<2x320000xi32, #tpu.memory_space<hbm>> -> memref<1x10112xi32, #tpu.memory_space<hbm>>
      %dma_start3A_128 = tpu.memref_squeeze %dma_start3A_127 : memref<1x10112xi32, #tpu.memory_space<hbm>> -> memref<10112xi32, #tpu.memory_space<hbm>>
      tpu.enqueue_dma source(%dma_start3A_128 : memref<10112xi32, #tpu.memory_space<hbm>>) target(%arg7 : memref<10112xi32, #tpu.memory_space<vmem>>) target_semaphore(%run_scoped3A_124 : memref<!tpu.dma_semaphore, #tpu.memory_space<semaphore_mem>>)
      %dma_wait3A_129 = tpu.memref_slice %arg2[%run_scoped3A_25, %mul3A_24] : memref<2x320000xi32, #tpu.memory_space<hbm>> -> memref<1x10112xi32, #tpu.memory_space<hbm>>
      %dma_wait3A_130 = tpu.memref_squeeze %dma_wait3A_129 : memref<1x10112xi32, #tpu.memory_space<hbm>> -> memref<10112xi32, #tpu.memory_space<hbm>>
      %dma_wait3A_131 = tpu.memref_slice %arg2[%run_scoped3A_25, %mul3A_24] : memref<2x320000xi32, #tpu.memory_space<hbm>> -> memref<1x10112xi32, #tpu.memory_space<hbm>>
      %dma_wait3A_132 = tpu.memref_squeeze %dma_wait3A_131 : memref<1x10112xi32, #tpu.memory_space<hbm>> -> memref<10112xi32, #tpu.memory_space<hbm>>
      tpu.wait_dma2 semaphore(%run_scoped3A_124 : memref<!tpu.dma_semaphore, #tpu.memory_space<semaphore_mem>>) src(%dma_wait3A_132 : memref<10112xi32, #tpu.memory_space<hbm>>) dst(%arg7 : memref<10112xi32, #tpu.memory_space<vmem>>)
      tpu.yield
    }) : () -> ()
    %dma_start3A = arith.constant 0 : i32
    %dma_start3A_26 = arith.constant 0 : i32
    %dma_start3A_27 = arith.constant 0 : i32
    %dma_start3A_28 = arith.constant 0 : i32
    %dma_start3A_29 = tpu.memref_slice %arg8[%dma_start3A, %dma_start3A_27, %dma_start3A_28] : memref<4x128x16xf32, #tpu.memory_space<vmem>> -> memref<1x128x16xf32, #tpu.memory_space<vmem>>
    %dma_start3A_30 = tpu.memref_squeeze %dma_start3A_29 : memref<1x128x16xf32, #tpu.memory_space<vmem>> -> memref<128x16xf32, #tpu.memory_space<vmem>>
    %dma_start3A_31 = arith.constant 0 : i32
    %dma_start3A_32 = tpu.memref_slice %arg6[%dma_start3A_31] : memref<10112xi32, #tpu.memory_space<vmem>> -> memref<128xi32, #tpu.memory_space<vmem>>
    %dma_start3A_33 = arith.constant 0 : i32
    %dma_start3A_34 = arith.constant 0 : i32
    %dma_start3A_35 = tpu.memref_slice %arg10[%dma_start3A_33, %dma_start3A_34] : memref<10112x16xf32, #tpu.memory_space<vmem_shared>> -> memref<10112x16xf32, #tpu.memory_space<vmem_shared>>
    %dma_start3A_36 = tpu.memref_slice %arg11[%dma_start3A_26] : memref<4x!tpu.dma_semaphore, #tpu.memory_space<semaphore_mem>> -> memref<1x!tpu.dma_semaphore, #tpu.memory_space<semaphore_mem>>
    %dma_start3A_37 = tpu.memref_squeeze %dma_start3A_36 : memref<1x!tpu.dma_semaphore, #tpu.memory_space<semaphore_mem>> -> memref<!tpu.dma_semaphore, #tpu.memory_space<semaphore_mem>>
    tpu.enqueue_indirect_dma source(%dma_start3A_35 : memref<10112x16xf32, #tpu.memory_space<vmem_shared>>) target(%dma_start3A_30 : memref<128x16xf32, #tpu.memory_space<vmem>>) offsets(%dma_start3A_32 : memref<128xi32, #tpu.memory_space<vmem>>) semaphore(%dma_start3A_37 : memref<!tpu.dma_semaphore, #tpu.memory_space<semaphore_mem>>)
    %dma_start3A_38 = arith.constant 1 : i32
    %dma_start3A_39 = arith.constant 1 : i32
    %dma_start3A_40 = arith.constant 0 : i32
    %dma_start3A_41 = arith.constant 0 : i32
    %dma_start3A_42 = tpu.memref_slice %arg8[%dma_start3A_38, %dma_start3A_40, %dma_start3A_41] : memref<4x128x16xf32, #tpu.memory_space<vmem>> -> memref<1x128x16xf32, #tpu.memory_space<vmem>>
    %dma_start3A_43 = tpu.memref_squeeze %dma_start3A_42 : memref<1x128x16xf32, #tpu.memory_space<vmem>> -> memref<128x16xf32, #tpu.memory_space<vmem>>
    %dma_start3A_44 = arith.constant 128 : i32
    %dma_start3A_45 = tpu.memref_slice %arg6[%dma_start3A_44] : memref<10112xi32, #tpu.memory_space<vmem>> -> memref<128xi32, #tpu.memory_space<vmem>>
    %dma_start3A_46 = arith.constant 0 : i32
    %dma_start3A_47 = arith.constant 0 : i32
    %dma_start3A_48 = tpu.memref_slice %arg10[%dma_start3A_46, %dma_start3A_47] : memref<10112x16xf32, #tpu.memory_space<vmem_shared>> -> memref<10112x16xf32, #tpu.memory_space<vmem_shared>>
    %dma_start3A_49 = tpu.memref_slice %arg11[%dma_start3A_39] : memref<4x!tpu.dma_semaphore, #tpu.memory_space<semaphore_mem>> -> memref<1x!tpu.dma_semaphore, #tpu.memory_space<semaphore_mem>>
    %dma_start3A_50 = tpu.memref_squeeze %dma_start3A_49 : memref<1x!tpu.dma_semaphore, #tpu.memory_space<semaphore_mem>> -> memref<!tpu.dma_semaphore, #tpu.memory_space<semaphore_mem>>
    tpu.enqueue_indirect_dma source(%dma_start3A_48 : memref<10112x16xf32, #tpu.memory_space<vmem_shared>>) target(%dma_start3A_43 : memref<128x16xf32, #tpu.memory_space<vmem>>) offsets(%dma_start3A_45 : memref<128xi32, #tpu.memory_space<vmem>>) semaphore(%dma_start3A_50 : memref<!tpu.dma_semaphore, #tpu.memory_space<semaphore_mem>>)
    %dma_start3A_51 = arith.constant 2 : i32
    %dma_start3A_52 = arith.constant 2 : i32
    %dma_start3A_53 = arith.constant 0 : i32
    %dma_start3A_54 = arith.constant 0 : i32
    %dma_start3A_55 = tpu.memref_slice %arg8[%dma_start3A_51, %dma_start3A_53, %dma_start3A_54] : memref<4x128x16xf32, #tpu.memory_space<vmem>> -> memref<1x128x16xf32, #tpu.memory_space<vmem>>
    %dma_start3A_56 = tpu.memref_squeeze %dma_start3A_55 : memref<1x128x16xf32, #tpu.memory_space<vmem>> -> memref<128x16xf32, #tpu.memory_space<vmem>>
    %dma_start3A_57 = arith.constant 256 : i32
    %dma_start3A_58 = tpu.memref_slice %arg6[%dma_start3A_57] : memref<10112xi32, #tpu.memory_space<vmem>> -> memref<128xi32, #tpu.memory_space<vmem>>
    %dma_start3A_59 = arith.constant 0 : i32
    %dma_start3A_60 = arith.constant 0 : i32
    %dma_start3A_61 = tpu.memref_slice %arg10[%dma_start3A_59, %dma_start3A_60] : memref<10112x16xf32, #tpu.memory_space<vmem_shared>> -> memref<10112x16xf32, #tpu.memory_space<vmem_shared>>
    %dma_start3A_62 = tpu.memref_slice %arg11[%dma_start3A_52] : memref<4x!tpu.dma_semaphore, #tpu.memory_space<semaphore_mem>> -> memref<1x!tpu.dma_semaphore, #tpu.memory_space<semaphore_mem>>
    %dma_start3A_63 = tpu.memref_squeeze %dma_start3A_62 : memref<1x!tpu.dma_semaphore, #tpu.memory_space<semaphore_mem>> -> memref<!tpu.dma_semaphore, #tpu.memory_space<semaphore_mem>>
    tpu.enqueue_indirect_dma source(%dma_start3A_61 : memref<10112x16xf32, #tpu.memory_space<vmem_shared>>) target(%dma_start3A_56 : memref<128x16xf32, #tpu.memory_space<vmem>>) offsets(%dma_start3A_58 : memref<128xi32, #tpu.memory_space<vmem>>) semaphore(%dma_start3A_63 : memref<!tpu.dma_semaphore, #tpu.memory_space<semaphore_mem>>)
    %scan3A = arith.constant 0 : i32
    %scan3A_64 = arith.constant 20 : i32
    %scan3A_65 = arith.addi %scan3A, %scan3A_64 : i32
    %scan3A_66 = arith.constant 1 : i32
    scf.for %scan3A_124 = %scan3A to %scan3A_65 step %scan3A_66  : i32 {
      %mul3A_125 = arith.constant 4 : i32
      %mul3A_126 = arith.muli %scan3A_124, %mul3A_125 : i32
      %add3A_127 = arith.constant 0 : i32
      %add3A_128 = arith.addi %add3A_127, %mul3A_126 : i32
      %add3A_129 = arith.constant 0 : i32
      %add3A_130 = arith.addi %add3A_128, %add3A_129 : i32
      %lt3A_131 = arith.cmpi slt, %add3A_130, %select_n3A : i32
      %convert_element_type3A = arith.extui %lt3A_131 : i1 to i32
      %cond3A = arith.constant 0 : i32
      %cond3A_132 = arith.cmpi ne, %convert_element_type3A, %cond3A : i32
      scf.if %cond3A_132 {
        %mul3A_151 = arith.constant 128 : i32
        %mul3A_152 = arith.muli %add3A_130, %mul3A_151 : i32
        %mul3A_153 = arith.constant 128 : i32
        %mul3A_154 = arith.muli %add3A_130, %mul3A_153 : i32
        %dma_wait3A_155 = arith.constant 0 : i32
        %dma_wait3A_156 = arith.constant 0 : i32
        %dma_wait3A_157 = arith.constant 0 : i32
        %dma_wait3A_158 = arith.constant 0 : i32
        %dma_wait3A_159 = tpu.memref_slice %arg8[%dma_wait3A_155, %dma_wait3A_157, %dma_wait3A_158] : memref<4x128x16xf32, #tpu.memory_space<vmem>> -> memref<1x128x16xf32, #tpu.memory_space<vmem>>
        %dma_wait3A_160 = tpu.memref_squeeze %dma_wait3A_159 : memref<1x128x16xf32, #tpu.memory_space<vmem>> -> memref<128x16xf32, #tpu.memory_space<vmem>>
        %dma_wait3A_161 = tpu.memref_slice %arg6[%mul3A_154] : memref<10112xi32, #tpu.memory_space<vmem>> -> memref<128xi32, #tpu.memory_space<vmem>>
        %dma_wait3A_162 = arith.constant 0 : i32
        %dma_wait3A_163 = arith.constant 0 : i32
        %dma_wait3A_164 = tpu.memref_slice %arg10[%dma_wait3A_162, %dma_wait3A_163] : memref<10112x16xf32, #tpu.memory_space<vmem_shared>> -> memref<10112x16xf32, #tpu.memory_space<vmem_shared>>
        %dma_wait3A_165 = tpu.memref_slice %arg11[%dma_wait3A_156] : memref<4x!tpu.dma_semaphore, #tpu.memory_space<semaphore_mem>> -> memref<1x!tpu.dma_semaphore, #tpu.memory_space<semaphore_mem>>
        %dma_wait3A_166 = tpu.memref_squeeze %dma_wait3A_165 : memref<1x!tpu.dma_semaphore, #tpu.memory_space<semaphore_mem>> -> memref<!tpu.dma_semaphore, #tpu.memory_space<semaphore_mem>>
        tpu.wait_indirect_dma semaphore(%dma_wait3A_166 : memref<!tpu.dma_semaphore, #tpu.memory_space<semaphore_mem>>) src(%dma_wait3A_164 : memref<10112x16xf32, #tpu.memory_space<vmem_shared>>) dst(%dma_wait3A_160 : memref<128x16xf32, #tpu.memory_space<vmem>>)
        %dma_start3A_167 = arith.constant 0 : i32
        %dma_start3A_168 = arith.constant 0 : i32
        %dma_start3A_169 = arith.constant 0 : i32
        %dma_start3A_170 = arith.constant 0 : i32
        %dma_start3A_171 = tpu.memref_slice %arg8[%dma_start3A_167, %dma_start3A_169, %dma_start3A_170] : memref<4x128x16xf32, #tpu.memory_space<vmem>> -> memref<1x128x16xf32, #tpu.memory_space<vmem>>
        %dma_start3A_172 = tpu.memref_squeeze %dma_start3A_171 : memref<1x128x16xf32, #tpu.memory_space<vmem>> -> memref<128x16xf32, #tpu.memory_space<vmem>>
        %dma_start3A_173 = tpu.memref_slice %arg7[%mul3A_152] : memref<10112xi32, #tpu.memory_space<vmem>> -> memref<128xi32, #tpu.memory_space<vmem>>
        %dma_start3A_174 = arith.constant 0 : i32
        %dma_start3A_175 = arith.constant 0 : i32
        %dma_start3A_176 = tpu.memref_slice %arg9[%dma_start3A_174, %dma_start3A_175] : memref<10112x16xf32, #tpu.memory_space<vmem_shared>> -> memref<10112x16xf32, #tpu.memory_space<vmem_shared>>
        %dma_start3A_177 = tpu.memref_slice %arg12[%dma_start3A_168] : memref<4x!tpu.dma_semaphore, #tpu.memory_space<semaphore_mem>> -> memref<1x!tpu.dma_semaphore, #tpu.memory_space<semaphore_mem>>
        %dma_start3A_178 = tpu.memref_squeeze %dma_start3A_177 : memref<1x!tpu.dma_semaphore, #tpu.memory_space<semaphore_mem>> -> memref<!tpu.dma_semaphore, #tpu.memory_space<semaphore_mem>>
        tpu.enqueue_indirect_dma source(%dma_start3A_172 : memref<128x16xf32, #tpu.memory_space<vmem>>) target(%dma_start3A_176 : memref<10112x16xf32, #tpu.memory_space<vmem_shared>>) offsets(%dma_start3A_173 : memref<128xi32, #tpu.memory_space<vmem>>) semaphore(%dma_start3A_178 : memref<!tpu.dma_semaphore, #tpu.memory_space<semaphore_mem>>) {add = true}
        %add3A_179 = arith.constant 3 : i32
        %add3A_180 = arith.addi %add3A_130, %add3A_179 : i32
        %lt3A_181 = arith.cmpi slt, %add3A_180, %select_n3A : i32
        %convert_element_type3A_182 = arith.extui %lt3A_181 : i1 to i32
        %cond3A_183 = arith.constant 0 : i32
        %cond3A_184 = arith.cmpi ne, %convert_element_type3A_182, %cond3A_183 : i32
        scf.if %cond3A_184 {
          %ge3A = arith.constant 1 : i32
          %ge3A_185 = arith.cmpi sge, %add3A_130, %ge3A : i32
          %convert_element_type3A_186 = arith.extui %ge3A_185 : i1 to i32
          %cond3A_187 = arith.constant 0 : i32
          %cond3A_188 = arith.cmpi ne, %convert_element_type3A_186, %cond3A_187 : i32
          scf.if %cond3A_188 {
            %dma_wait3A_205 = arith.constant 3 : i32
            %dma_wait3A_206 = arith.constant 3 : i32
            %dma_wait3A_207 = arith.constant 0 : i32
            %dma_wait3A_208 = arith.constant 0 : i32
            %dma_wait3A_209 = tpu.memref_slice %arg8[%dma_wait3A_205, %dma_wait3A_207, %dma_wait3A_208] : memref<4x128x16xf32, #tpu.memory_space<vmem>> -> memref<1x128x16xf32, #tpu.memory_space<vmem>>
            %dma_wait3A_210 = tpu.memref_squeeze %dma_wait3A_209 : memref<1x128x16xf32, #tpu.memory_space<vmem>> -> memref<128x16xf32, #tpu.memory_space<vmem>>
            %dma_wait3A_211 = tpu.memref_slice %arg7[%mul3A_152] : memref<10112xi32, #tpu.memory_space<vmem>> -> memref<128xi32, #tpu.memory_space<vmem>>
            %dma_wait3A_212 = arith.constant 0 : i32
            %dma_wait3A_213 = arith.constant 0 : i32
            %dma_wait3A_214 = tpu.memref_slice %arg9[%dma_wait3A_212, %dma_wait3A_213] : memref<10112x16xf32, #tpu.memory_space<vmem_shared>> -> memref<10112x16xf32, #tpu.memory_space<vmem_shared>>
            %dma_wait3A_215 = tpu.memref_slice %arg12[%dma_wait3A_206] : memref<4x!tpu.dma_semaphore, #tpu.memory_space<semaphore_mem>> -> memref<1x!tpu.dma_semaphore, #tpu.memory_space<semaphore_mem>>
            %dma_wait3A_216 = tpu.memref_squeeze %dma_wait3A_215 : memref<1x!tpu.dma_semaphore, #tpu.memory_space<semaphore_mem>> -> memref<!tpu.dma_semaphore, #tpu.memory_space<semaphore_mem>>
            tpu.wait_indirect_dma semaphore(%dma_wait3A_216 : memref<!tpu.dma_semaphore, #tpu.memory_space<semaphore_mem>>) src(%dma_wait3A_210 : memref<128x16xf32, #tpu.memory_space<vmem>>) dst(%dma_wait3A_214 : memref<10112x16xf32, #tpu.memory_space<vmem_shared>>)
          } else {
          }
          %add3A_189 = arith.constant 3 : i32
          %add3A_190 = arith.addi %add3A_130, %add3A_189 : i32
          %mul3A_191 = arith.constant 128 : i32
          %mul3A_192 = arith.muli %add3A_190, %mul3A_191 : i32
          %dma_start3A_193 = arith.constant 3 : i32
          %dma_start3A_194 = arith.constant 3 : i32
          %dma_start3A_195 = arith.constant 0 : i32
          %dma_start3A_196 = arith.constant 0 : i32
          %dma_start3A_197 = tpu.memref_slice %arg8[%dma_start3A_193, %dma_start3A_195, %dma_start3A_196] : memref<4x128x16xf32, #tpu.memory_space<vmem>> -> memref<1x128x16xf32, #tpu.memory_space<vmem>>
          %dma_start3A_198 = tpu.memref_squeeze %dma_start3A_197 : memref<1x128x16xf32, #tpu.memory_space<vmem>> -> memref<128x16xf32, #tpu.memory_space<vmem>>
          %dma_start3A_199 = tpu.memref_slice %arg6[%mul3A_192] : memref<10112xi32, #tpu.memory_space<vmem>> -> memref<128xi32, #tpu.memory_space<vmem>>
          %dma_start3A_200 = arith.constant 0 : i32
          %dma_start3A_201 = arith.constant 0 : i32
          %dma_start3A_202 = tpu.memref_slice %arg10[%dma_start3A_200, %dma_start3A_201] : memref<10112x16xf32, #tpu.memory_space<vmem_shared>> -> memref<10112x16xf32, #tpu.memory_space<vmem_shared>>
          %dma_start3A_203 = tpu.memref_slice %arg11[%dma_start3A_194] : memref<4x!tpu.dma_semaphore, #tpu.memory_space<semaphore_mem>> -> memref<1x!tpu.dma_semaphore, #tpu.memory_space<semaphore_mem>>
          %dma_start3A_204 = tpu.memref_squeeze %dma_start3A_203 : memref<1x!tpu.dma_semaphore, #tpu.memory_space<semaphore_mem>> -> memref<!tpu.dma_semaphore, #tpu.memory_space<semaphore_mem>>
          tpu.enqueue_indirect_dma source(%dma_start3A_202 : memref<10112x16xf32, #tpu.memory_space<vmem_shared>>) target(%dma_start3A_198 : memref<128x16xf32, #tpu.memory_space<vmem>>) offsets(%dma_start3A_199 : memref<128xi32, #tpu.memory_space<vmem>>) semaphore(%dma_start3A_204 : memref<!tpu.dma_semaphore, #tpu.memory_space<semaphore_mem>>)
        } else {
        }
      } else {
      }
      %add3A_133 = arith.constant 1 : i32
      %add3A_134 = arith.addi %add3A_128, %add3A_133 : i32
      %lt3A_135 = arith.cmpi slt, %add3A_134, %select_n3A : i32
      %convert_element_type3A_136 = arith.extui %lt3A_135 : i1 to i32
      %cond3A_137 = arith.constant 0 : i32
      %cond3A_138 = arith.cmpi ne, %convert_element_type3A_136, %cond3A_137 : i32
      scf.if %cond3A_138 {
        %mul3A_151 = arith.constant 128 : i32
        %mul3A_152 = arith.muli %add3A_134, %mul3A_151 : i32
        %mul3A_153 = arith.constant 128 : i32
        %mul3A_154 = arith.muli %add3A_134, %mul3A_153 : i32
        %dma_wait3A_155 = arith.constant 1 : i32
        %dma_wait3A_156 = arith.constant 1 : i32
        %dma_wait3A_157 = arith.constant 0 : i32
        %dma_wait3A_158 = arith.constant 0 : i32
        %dma_wait3A_159 = tpu.memref_slice %arg8[%dma_wait3A_155, %dma_wait3A_157, %dma_wait3A_158] : memref<4x128x16xf32, #tpu.memory_space<vmem>> -> memref<1x128x16xf32, #tpu.memory_space<vmem>>
        %dma_wait3A_160 = tpu.memref_squeeze %dma_wait3A_159 : memref<1x128x16xf32, #tpu.memory_space<vmem>> -> memref<128x16xf32, #tpu.memory_space<vmem>>
        %dma_wait3A_161 = tpu.memref_slice %arg6[%mul3A_154] : memref<10112xi32, #tpu.memory_space<vmem>> -> memref<128xi32, #tpu.memory_space<vmem>>
        %dma_wait3A_162 = arith.constant 0 : i32
        %dma_wait3A_163 = arith.constant 0 : i32
        %dma_wait3A_164 = tpu.memref_slice %arg10[%dma_wait3A_162, %dma_wait3A_163] : memref<10112x16xf32, #tpu.memory_space<vmem_shared>> -> memref<10112x16xf32, #tpu.memory_space<vmem_shared>>
        %dma_wait3A_165 = tpu.memref_slice %arg11[%dma_wait3A_156] : memref<4x!tpu.dma_semaphore, #tpu.memory_space<semaphore_mem>> -> memref<1x!tpu.dma_semaphore, #tpu.memory_space<semaphore_mem>>
        %dma_wait3A_166 = tpu.memref_squeeze %dma_wait3A_165 : memref<1x!tpu.dma_semaphore, #tpu.memory_space<semaphore_mem>> -> memref<!tpu.dma_semaphore, #tpu.memory_space<semaphore_mem>>
        tpu.wait_indirect_dma semaphore(%dma_wait3A_166 : memref<!tpu.dma_semaphore, #tpu.memory_space<semaphore_mem>>) src(%dma_wait3A_164 : memref<10112x16xf32, #tpu.memory_space<vmem_shared>>) dst(%dma_wait3A_160 : memref<128x16xf32, #tpu.memory_space<vmem>>)
        %dma_start3A_167 = arith.constant 1 : i32
        %dma_start3A_168 = arith.constant 1 : i32
        %dma_start3A_169 = arith.constant 0 : i32
        %dma_start3A_170 = arith.constant 0 : i32
        %dma_start3A_171 = tpu.memref_slice %arg8[%dma_start3A_167, %dma_start3A_169, %dma_start3A_170] : memref<4x128x16xf32, #tpu.memory_space<vmem>> -> memref<1x128x16xf32, #tpu.memory_space<vmem>>
        %dma_start3A_172 = tpu.memref_squeeze %dma_start3A_171 : memref<1x128x16xf32, #tpu.memory_space<vmem>> -> memref<128x16xf32, #tpu.memory_space<vmem>>
        %dma_start3A_173 = tpu.memref_slice %arg7[%mul3A_152] : memref<10112xi32, #tpu.memory_space<vmem>> -> memref<128xi32, #tpu.memory_space<vmem>>
        %dma_start3A_174 = arith.constant 0 : i32
        %dma_start3A_175 = arith.constant 0 : i32
        %dma_start3A_176 = tpu.memref_slice %arg9[%dma_start3A_174, %dma_start3A_175] : memref<10112x16xf32, #tpu.memory_space<vmem_shared>> -> memref<10112x16xf32, #tpu.memory_space<vmem_shared>>
        %dma_start3A_177 = tpu.memref_slice %arg12[%dma_start3A_168] : memref<4x!tpu.dma_semaphore, #tpu.memory_space<semaphore_mem>> -> memref<1x!tpu.dma_semaphore, #tpu.memory_space<semaphore_mem>>
        %dma_start3A_178 = tpu.memref_squeeze %dma_start3A_177 : memref<1x!tpu.dma_semaphore, #tpu.memory_space<semaphore_mem>> -> memref<!tpu.dma_semaphore, #tpu.memory_space<semaphore_mem>>
        tpu.enqueue_indirect_dma source(%dma_start3A_172 : memref<128x16xf32, #tpu.memory_space<vmem>>) target(%dma_start3A_176 : memref<10112x16xf32, #tpu.memory_space<vmem_shared>>) offsets(%dma_start3A_173 : memref<128xi32, #tpu.memory_space<vmem>>) semaphore(%dma_start3A_178 : memref<!tpu.dma_semaphore, #tpu.memory_space<semaphore_mem>>) {add = true}
        %add3A_179 = arith.constant 3 : i32
        %add3A_180 = arith.addi %add3A_134, %add3A_179 : i32
        %lt3A_181 = arith.cmpi slt, %add3A_180, %select_n3A : i32
        %convert_element_type3A_182 = arith.extui %lt3A_181 : i1 to i32
        %cond3A_183 = arith.constant 0 : i32
        %cond3A_184 = arith.cmpi ne, %convert_element_type3A_182, %cond3A_183 : i32
        scf.if %cond3A_184 {
          %ge3A = arith.constant 1 : i32
          %ge3A_185 = arith.cmpi sge, %add3A_134, %ge3A : i32
          %convert_element_type3A_186 = arith.extui %ge3A_185 : i1 to i32
          %cond3A_187 = arith.constant 0 : i32
          %cond3A_188 = arith.cmpi ne, %convert_element_type3A_186, %cond3A_187 : i32
          scf.if %cond3A_188 {
            %dma_wait3A_205 = arith.constant 0 : i32
            %dma_wait3A_206 = arith.constant 0 : i32
            %dma_wait3A_207 = arith.constant 0 : i32
            %dma_wait3A_208 = arith.constant 0 : i32
            %dma_wait3A_209 = tpu.memref_slice %arg8[%dma_wait3A_205, %dma_wait3A_207, %dma_wait3A_208] : memref<4x128x16xf32, #tpu.memory_space<vmem>> -> memref<1x128x16xf32, #tpu.memory_space<vmem>>
            %dma_wait3A_210 = tpu.memref_squeeze %dma_wait3A_209 : memref<1x128x16xf32, #tpu.memory_space<vmem>> -> memref<128x16xf32, #tpu.memory_space<vmem>>
            %dma_wait3A_211 = tpu.memref_slice %arg7[%mul3A_152] : memref<10112xi32, #tpu.memory_space<vmem>> -> memref<128xi32, #tpu.memory_space<vmem>>
            %dma_wait3A_212 = arith.constant 0 : i32
            %dma_wait3A_213 = arith.constant 0 : i32
            %dma_wait3A_214 = tpu.memref_slice %arg9[%dma_wait3A_212, %dma_wait3A_213] : memref<10112x16xf32, #tpu.memory_space<vmem_shared>> -> memref<10112x16xf32, #tpu.memory_space<vmem_shared>>
            %dma_wait3A_215 = tpu.memref_slice %arg12[%dma_wait3A_206] : memref<4x!tpu.dma_semaphore, #tpu.memory_space<semaphore_mem>> -> memref<1x!tpu.dma_semaphore, #tpu.memory_space<semaphore_mem>>
            %dma_wait3A_216 = tpu.memref_squeeze %dma_wait3A_215 : memref<1x!tpu.dma_semaphore, #tpu.memory_space<semaphore_mem>> -> memref<!tpu.dma_semaphore, #tpu.memory_space<semaphore_mem>>
            tpu.wait_indirect_dma semaphore(%dma_wait3A_216 : memref<!tpu.dma_semaphore, #tpu.memory_space<semaphore_mem>>) src(%dma_wait3A_210 : memref<128x16xf32, #tpu.memory_space<vmem>>) dst(%dma_wait3A_214 : memref<10112x16xf32, #tpu.memory_space<vmem_shared>>)
          } else {
          }
          %add3A_189 = arith.constant 3 : i32
          %add3A_190 = arith.addi %add3A_134, %add3A_189 : i32
          %mul3A_191 = arith.constant 128 : i32
          %mul3A_192 = arith.muli %add3A_190, %mul3A_191 : i32
          %dma_start3A_193 = arith.constant 0 : i32
          %dma_start3A_194 = arith.constant 0 : i32
          %dma_start3A_195 = arith.constant 0 : i32
          %dma_start3A_196 = arith.constant 0 : i32
          %dma_start3A_197 = tpu.memref_slice %arg8[%dma_start3A_193, %dma_start3A_195, %dma_start3A_196] : memref<4x128x16xf32, #tpu.memory_space<vmem>> -> memref<1x128x16xf32, #tpu.memory_space<vmem>>
          %dma_start3A_198 = tpu.memref_squeeze %dma_start3A_197 : memref<1x128x16xf32, #tpu.memory_space<vmem>> -> memref<128x16xf32, #tpu.memory_space<vmem>>
          %dma_start3A_199 = tpu.memref_slice %arg6[%mul3A_192] : memref<10112xi32, #tpu.memory_space<vmem>> -> memref<128xi32, #tpu.memory_space<vmem>>
          %dma_start3A_200 = arith.constant 0 : i32
          %dma_start3A_201 = arith.constant 0 : i32
          %dma_start3A_202 = tpu.memref_slice %arg10[%dma_start3A_200, %dma_start3A_201] : memref<10112x16xf32, #tpu.memory_space<vmem_shared>> -> memref<10112x16xf32, #tpu.memory_space<vmem_shared>>
          %dma_start3A_203 = tpu.memref_slice %arg11[%dma_start3A_194] : memref<4x!tpu.dma_semaphore, #tpu.memory_space<semaphore_mem>> -> memref<1x!tpu.dma_semaphore, #tpu.memory_space<semaphore_mem>>
          %dma_start3A_204 = tpu.memref_squeeze %dma_start3A_203 : memref<1x!tpu.dma_semaphore, #tpu.memory_space<semaphore_mem>> -> memref<!tpu.dma_semaphore, #tpu.memory_space<semaphore_mem>>
          tpu.enqueue_indirect_dma source(%dma_start3A_202 : memref<10112x16xf32, #tpu.memory_space<vmem_shared>>) target(%dma_start3A_198 : memref<128x16xf32, #tpu.memory_space<vmem>>) offsets(%dma_start3A_199 : memref<128xi32, #tpu.memory_space<vmem>>) semaphore(%dma_start3A_204 : memref<!tpu.dma_semaphore, #tpu.memory_space<semaphore_mem>>)
        } else {
        }
      } else {
      }
      %add3A_139 = arith.constant 2 : i32
      %add3A_140 = arith.addi %add3A_128, %add3A_139 : i32
      %lt3A_141 = arith.cmpi slt, %add3A_140, %select_n3A : i32
      %convert_element_type3A_142 = arith.extui %lt3A_141 : i1 to i32
      %cond3A_143 = arith.constant 0 : i32
      %cond3A_144 = arith.cmpi ne, %convert_element_type3A_142, %cond3A_143 : i32
      scf.if %cond3A_144 {
        %mul3A_151 = arith.constant 128 : i32
        %mul3A_152 = arith.muli %add3A_140, %mul3A_151 : i32
        %mul3A_153 = arith.constant 128 : i32
        %mul3A_154 = arith.muli %add3A_140, %mul3A_153 : i32
        %dma_wait3A_155 = arith.constant 2 : i32
        %dma_wait3A_156 = arith.constant 2 : i32
        %dma_wait3A_157 = arith.constant 0 : i32
        %dma_wait3A_158 = arith.constant 0 : i32
        %dma_wait3A_159 = tpu.memref_slice %arg8[%dma_wait3A_155, %dma_wait3A_157, %dma_wait3A_158] : memref<4x128x16xf32, #tpu.memory_space<vmem>> -> memref<1x128x16xf32, #tpu.memory_space<vmem>>
        %dma_wait3A_160 = tpu.memref_squeeze %dma_wait3A_159 : memref<1x128x16xf32, #tpu.memory_space<vmem>> -> memref<128x16xf32, #tpu.memory_space<vmem>>
        %dma_wait3A_161 = tpu.memref_slice %arg6[%mul3A_154] : memref<10112xi32, #tpu.memory_space<vmem>> -> memref<128xi32, #tpu.memory_space<vmem>>
        %dma_wait3A_162 = arith.constant 0 : i32
        %dma_wait3A_163 = arith.constant 0 : i32
        %dma_wait3A_164 = tpu.memref_slice %arg10[%dma_wait3A_162, %dma_wait3A_163] : memref<10112x16xf32, #tpu.memory_space<vmem_shared>> -> memref<10112x16xf32, #tpu.memory_space<vmem_shared>>
        %dma_wait3A_165 = tpu.memref_slice %arg11[%dma_wait3A_156] : memref<4x!tpu.dma_semaphore, #tpu.memory_space<semaphore_mem>> -> memref<1x!tpu.dma_semaphore, #tpu.memory_space<semaphore_mem>>
        %dma_wait3A_166 = tpu.memref_squeeze %dma_wait3A_165 : memref<1x!tpu.dma_semaphore, #tpu.memory_space<semaphore_mem>> -> memref<!tpu.dma_semaphore, #tpu.memory_space<semaphore_mem>>
        tpu.wait_indirect_dma semaphore(%dma_wait3A_166 : memref<!tpu.dma_semaphore, #tpu.memory_space<semaphore_mem>>) src(%dma_wait3A_164 : memref<10112x16xf32, #tpu.memory_space<vmem_shared>>) dst(%dma_wait3A_160 : memref<128x16xf32, #tpu.memory_space<vmem>>)
        %dma_start3A_167 = arith.constant 2 : i32
        %dma_start3A_168 = arith.constant 2 : i32
        %dma_start3A_169 = arith.constant 0 : i32
        %dma_start3A_170 = arith.constant 0 : i32
        %dma_start3A_171 = tpu.memref_slice %arg8[%dma_start3A_167, %dma_start3A_169, %dma_start3A_170] : memref<4x128x16xf32, #tpu.memory_space<vmem>> -> memref<1x128x16xf32, #tpu.memory_space<vmem>>
        %dma_start3A_172 = tpu.memref_squeeze %dma_start3A_171 : memref<1x128x16xf32, #tpu.memory_space<vmem>> -> memref<128x16xf32, #tpu.memory_space<vmem>>
        %dma_start3A_173 = tpu.memref_slice %arg7[%mul3A_152] : memref<10112xi32, #tpu.memory_space<vmem>> -> memref<128xi32, #tpu.memory_space<vmem>>
        %dma_start3A_174 = arith.constant 0 : i32
        %dma_start3A_175 = arith.constant 0 : i32
        %dma_start3A_176 = tpu.memref_slice %arg9[%dma_start3A_174, %dma_start3A_175] : memref<10112x16xf32, #tpu.memory_space<vmem_shared>> -> memref<10112x16xf32, #tpu.memory_space<vmem_shared>>
        %dma_start3A_177 = tpu.memref_slice %arg12[%dma_start3A_168] : memref<4x!tpu.dma_semaphore, #tpu.memory_space<semaphore_mem>> -> memref<1x!tpu.dma_semaphore, #tpu.memory_space<semaphore_mem>>
        %dma_start3A_178 = tpu.memref_squeeze %dma_start3A_177 : memref<1x!tpu.dma_semaphore, #tpu.memory_space<semaphore_mem>> -> memref<!tpu.dma_semaphore, #tpu.memory_space<semaphore_mem>>
        tpu.enqueue_indirect_dma source(%dma_start3A_172 : memref<128x16xf32, #tpu.memory_space<vmem>>) target(%dma_start3A_176 : memref<10112x16xf32, #tpu.memory_space<vmem_shared>>) offsets(%dma_start3A_173 : memref<128xi32, #tpu.memory_space<vmem>>) semaphore(%dma_start3A_178 : memref<!tpu.dma_semaphore, #tpu.memory_space<semaphore_mem>>) {add = true}
        %add3A_179 = arith.constant 3 : i32
        %add3A_180 = arith.addi %add3A_140, %add3A_179 : i32
        %lt3A_181 = arith.cmpi slt, %add3A_180, %select_n3A : i32
        %convert_element_type3A_182 = arith.extui %lt3A_181 : i1 to i32
        %cond3A_183 = arith.constant 0 : i32
        %cond3A_184 = arith.cmpi ne, %convert_element_type3A_182, %cond3A_183 : i32
        scf.if %cond3A_184 {
          %ge3A = arith.constant 1 : i32
          %ge3A_185 = arith.cmpi sge, %add3A_140, %ge3A : i32
          %convert_element_type3A_186 = arith.extui %ge3A_185 : i1 to i32
          %cond3A_187 = arith.constant 0 : i32
          %cond3A_188 = arith.cmpi ne, %convert_element_type3A_186, %cond3A_187 : i32
          scf.if %cond3A_188 {
            %dma_wait3A_205 = arith.constant 1 : i32
            %dma_wait3A_206 = arith.constant 1 : i32
            %dma_wait3A_207 = arith.constant 0 : i32
            %dma_wait3A_208 = arith.constant 0 : i32
            %dma_wait3A_209 = tpu.memref_slice %arg8[%dma_wait3A_205, %dma_wait3A_207, %dma_wait3A_208] : memref<4x128x16xf32, #tpu.memory_space<vmem>> -> memref<1x128x16xf32, #tpu.memory_space<vmem>>
            %dma_wait3A_210 = tpu.memref_squeeze %dma_wait3A_209 : memref<1x128x16xf32, #tpu.memory_space<vmem>> -> memref<128x16xf32, #tpu.memory_space<vmem>>
            %dma_wait3A_211 = tpu.memref_slice %arg7[%mul3A_152] : memref<10112xi32, #tpu.memory_space<vmem>> -> memref<128xi32, #tpu.memory_space<vmem>>
            %dma_wait3A_212 = arith.constant 0 : i32
            %dma_wait3A_213 = arith.constant 0 : i32
            %dma_wait3A_214 = tpu.memref_slice %arg9[%dma_wait3A_212, %dma_wait3A_213] : memref<10112x16xf32, #tpu.memory_space<vmem_shared>> -> memref<10112x16xf32, #tpu.memory_space<vmem_shared>>
            %dma_wait3A_215 = tpu.memref_slice %arg12[%dma_wait3A_206] : memref<4x!tpu.dma_semaphore, #tpu.memory_space<semaphore_mem>> -> memref<1x!tpu.dma_semaphore, #tpu.memory_space<semaphore_mem>>
            %dma_wait3A_216 = tpu.memref_squeeze %dma_wait3A_215 : memref<1x!tpu.dma_semaphore, #tpu.memory_space<semaphore_mem>> -> memref<!tpu.dma_semaphore, #tpu.memory_space<semaphore_mem>>
            tpu.wait_indirect_dma semaphore(%dma_wait3A_216 : memref<!tpu.dma_semaphore, #tpu.memory_space<semaphore_mem>>) src(%dma_wait3A_210 : memref<128x16xf32, #tpu.memory_space<vmem>>) dst(%dma_wait3A_214 : memref<10112x16xf32, #tpu.memory_space<vmem_shared>>)
          } else {
          }
          %add3A_189 = arith.constant 3 : i32
          %add3A_190 = arith.addi %add3A_140, %add3A_189 : i32
          %mul3A_191 = arith.constant 128 : i32
          %mul3A_192 = arith.muli %add3A_190, %mul3A_191 : i32
          %dma_start3A_193 = arith.constant 1 : i32
          %dma_start3A_194 = arith.constant 1 : i32
          %dma_start3A_195 = arith.constant 0 : i32
          %dma_start3A_196 = arith.constant 0 : i32
          %dma_start3A_197 = tpu.memref_slice %arg8[%dma_start3A_193, %dma_start3A_195, %dma_start3A_196] : memref<4x128x16xf32, #tpu.memory_space<vmem>> -> memref<1x128x16xf32, #tpu.memory_space<vmem>>
          %dma_start3A_198 = tpu.memref_squeeze %dma_start3A_197 : memref<1x128x16xf32, #tpu.memory_space<vmem>> -> memref<128x16xf32, #tpu.memory_space<vmem>>
          %dma_start3A_199 = tpu.memref_slice %arg6[%mul3A_192] : memref<10112xi32, #tpu.memory_space<vmem>> -> memref<128xi32, #tpu.memory_space<vmem>>
          %dma_start3A_200 = arith.constant 0 : i32
          %dma_start3A_201 = arith.constant 0 : i32
          %dma_start3A_202 = tpu.memref_slice %arg10[%dma_start3A_200, %dma_start3A_201] : memref<10112x16xf32, #tpu.memory_space<vmem_shared>> -> memref<10112x16xf32, #tpu.memory_space<vmem_shared>>
          %dma_start3A_203 = tpu.memref_slice %arg11[%dma_start3A_194] : memref<4x!tpu.dma_semaphore, #tpu.memory_space<semaphore_mem>> -> memref<1x!tpu.dma_semaphore, #tpu.memory_space<semaphore_mem>>
          %dma_start3A_204 = tpu.memref_squeeze %dma_start3A_203 : memref<1x!tpu.dma_semaphore, #tpu.memory_space<semaphore_mem>> -> memref<!tpu.dma_semaphore, #tpu.memory_space<semaphore_mem>>
          tpu.enqueue_indirect_dma source(%dma_start3A_202 : memref<10112x16xf32, #tpu.memory_space<vmem_shared>>) target(%dma_start3A_198 : memref<128x16xf32, #tpu.memory_space<vmem>>) offsets(%dma_start3A_199 : memref<128xi32, #tpu.memory_space<vmem>>) semaphore(%dma_start3A_204 : memref<!tpu.dma_semaphore, #tpu.memory_space<semaphore_mem>>)
        } else {
        }
      } else {
      }
      %add3A_145 = arith.constant 3 : i32
      %add3A_146 = arith.addi %add3A_128, %add3A_145 : i32
      %lt3A_147 = arith.cmpi slt, %add3A_146, %select_n3A : i32
      %convert_element_type3A_148 = arith.extui %lt3A_147 : i1 to i32
      %cond3A_149 = arith.constant 0 : i32
      %cond3A_150 = arith.cmpi ne, %convert_element_type3A_148, %cond3A_149 : i32
      scf.if %cond3A_150 {
        %mul3A_151 = arith.constant 128 : i32
        %mul3A_152 = arith.muli %add3A_146, %mul3A_151 : i32
        %mul3A_153 = arith.constant 128 : i32
        %mul3A_154 = arith.muli %add3A_146, %mul3A_153 : i32
        %dma_wait3A_155 = arith.constant 3 : i32
        %dma_wait3A_156 = arith.constant 3 : i32
        %dma_wait3A_157 = arith.constant 0 : i32
        %dma_wait3A_158 = arith.constant 0 : i32
        %dma_wait3A_159 = tpu.memref_slice %arg8[%dma_wait3A_155, %dma_wait3A_157, %dma_wait3A_158] : memref<4x128x16xf32, #tpu.memory_space<vmem>> -> memref<1x128x16xf32, #tpu.memory_space<vmem>>
        %dma_wait3A_160 = tpu.memref_squeeze %dma_wait3A_159 : memref<1x128x16xf32, #tpu.memory_space<vmem>> -> memref<128x16xf32, #tpu.memory_space<vmem>>
        %dma_wait3A_161 = tpu.memref_slice %arg6[%mul3A_154] : memref<10112xi32, #tpu.memory_space<vmem>> -> memref<128xi32, #tpu.memory_space<vmem>>
        %dma_wait3A_162 = arith.constant 0 : i32
        %dma_wait3A_163 = arith.constant 0 : i32
        %dma_wait3A_164 = tpu.memref_slice %arg10[%dma_wait3A_162, %dma_wait3A_163] : memref<10112x16xf32, #tpu.memory_space<vmem_shared>> -> memref<10112x16xf32, #tpu.memory_space<vmem_shared>>
        %dma_wait3A_165 = tpu.memref_slice %arg11[%dma_wait3A_156] : memref<4x!tpu.dma_semaphore, #tpu.memory_space<semaphore_mem>> -> memref<1x!tpu.dma_semaphore, #tpu.memory_space<semaphore_mem>>
        %dma_wait3A_166 = tpu.memref_squeeze %dma_wait3A_165 : memref<1x!tpu.dma_semaphore, #tpu.memory_space<semaphore_mem>> -> memref<!tpu.dma_semaphore, #tpu.memory_space<semaphore_mem>>
        tpu.wait_indirect_dma semaphore(%dma_wait3A_166 : memref<!tpu.dma_semaphore, #tpu.memory_space<semaphore_mem>>) src(%dma_wait3A_164 : memref<10112x16xf32, #tpu.memory_space<vmem_shared>>) dst(%dma_wait3A_160 : memref<128x16xf32, #tpu.memory_space<vmem>>)
        %dma_start3A_167 = arith.constant 3 : i32
        %dma_start3A_168 = arith.constant 3 : i32
        %dma_start3A_169 = arith.constant 0 : i32
        %dma_start3A_170 = arith.constant 0 : i32
        %dma_start3A_171 = tpu.memref_slice %arg8[%dma_start3A_167, %dma_start3A_169, %dma_start3A_170] : memref<4x128x16xf32, #tpu.memory_space<vmem>> -> memref<1x128x16xf32, #tpu.memory_space<vmem>>
        %dma_start3A_172 = tpu.memref_squeeze %dma_start3A_171 : memref<1x128x16xf32, #tpu.memory_space<vmem>> -> memref<128x16xf32, #tpu.memory_space<vmem>>
        %dma_start3A_173 = tpu.memref_slice %arg7[%mul3A_152] : memref<10112xi32, #tpu.memory_space<vmem>> -> memref<128xi32, #tpu.memory_space<vmem>>
        %dma_start3A_174 = arith.constant 0 : i32
        %dma_start3A_175 = arith.constant 0 : i32
        %dma_start3A_176 = tpu.memref_slice %arg9[%dma_start3A_174, %dma_start3A_175] : memref<10112x16xf32, #tpu.memory_space<vmem_shared>> -> memref<10112x16xf32, #tpu.memory_space<vmem_shared>>
        %dma_start3A_177 = tpu.memref_slice %arg12[%dma_start3A_168] : memref<4x!tpu.dma_semaphore, #tpu.memory_space<semaphore_mem>> -> memref<1x!tpu.dma_semaphore, #tpu.memory_space<semaphore_mem>>
        %dma_start3A_178 = tpu.memref_squeeze %dma_start3A_177 : memref<1x!tpu.dma_semaphore, #tpu.memory_space<semaphore_mem>> -> memref<!tpu.dma_semaphore, #tpu.memory_space<semaphore_mem>>
        tpu.enqueue_indirect_dma source(%dma_start3A_172 : memref<128x16xf32, #tpu.memory_space<vmem>>) target(%dma_start3A_176 : memref<10112x16xf32, #tpu.memory_space<vmem_shared>>) offsets(%dma_start3A_173 : memref<128xi32, #tpu.memory_space<vmem>>) semaphore(%dma_start3A_178 : memref<!tpu.dma_semaphore, #tpu.memory_space<semaphore_mem>>) {add = true}
        %add3A_179 = arith.constant 3 : i32
        %add3A_180 = arith.addi %add3A_146, %add3A_179 : i32
        %lt3A_181 = arith.cmpi slt, %add3A_180, %select_n3A : i32
        %convert_element_type3A_182 = arith.extui %lt3A_181 : i1 to i32
        %cond3A_183 = arith.constant 0 : i32
        %cond3A_184 = arith.cmpi ne, %convert_element_type3A_182, %cond3A_183 : i32
        scf.if %cond3A_184 {
          %ge3A = arith.constant 1 : i32
          %ge3A_185 = arith.cmpi sge, %add3A_146, %ge3A : i32
          %convert_element_type3A_186 = arith.extui %ge3A_185 : i1 to i32
          %cond3A_187 = arith.constant 0 : i32
          %cond3A_188 = arith.cmpi ne, %convert_element_type3A_186, %cond3A_187 : i32
          scf.if %cond3A_188 {
            %dma_wait3A_205 = arith.constant 2 : i32
            %dma_wait3A_206 = arith.constant 2 : i32
            %dma_wait3A_207 = arith.constant 0 : i32
            %dma_wait3A_208 = arith.constant 0 : i32
            %dma_wait3A_209 = tpu.memref_slice %arg8[%dma_wait3A_205, %dma_wait3A_207, %dma_wait3A_208] : memref<4x128x16xf32, #tpu.memory_space<vmem>> -> memref<1x128x16xf32, #tpu.memory_space<vmem>>
            %dma_wait3A_210 = tpu.memref_squeeze %dma_wait3A_209 : memref<1x128x16xf32, #tpu.memory_space<vmem>> -> memref<128x16xf32, #tpu.memory_space<vmem>>
            %dma_wait3A_211 = tpu.memref_slice %arg7[%mul3A_152] : memref<10112xi32, #tpu.memory_space<vmem>> -> memref<128xi32, #tpu.memory_space<vmem>>
            %dma_wait3A_212 = arith.constant 0 : i32
            %dma_wait3A_213 = arith.constant 0 : i32
            %dma_wait3A_214 = tpu.memref_slice %arg9[%dma_wait3A_212, %dma_wait3A_213] : memref<10112x16xf32, #tpu.memory_space<vmem_shared>> -> memref<10112x16xf32, #tpu.memory_space<vmem_shared>>
            %dma_wait3A_215 = tpu.memref_slice %arg12[%dma_wait3A_206] : memref<4x!tpu.dma_semaphore, #tpu.memory_space<semaphore_mem>> -> memref<1x!tpu.dma_semaphore, #tpu.memory_space<semaphore_mem>>
            %dma_wait3A_216 = tpu.memref_squeeze %dma_wait3A_215 : memref<1x!tpu.dma_semaphore, #tpu.memory_space<semaphore_mem>> -> memref<!tpu.dma_semaphore, #tpu.memory_space<semaphore_mem>>
            tpu.wait_indirect_dma semaphore(%dma_wait3A_216 : memref<!tpu.dma_semaphore, #tpu.memory_space<semaphore_mem>>) src(%dma_wait3A_210 : memref<128x16xf32, #tpu.memory_space<vmem>>) dst(%dma_wait3A_214 : memref<10112x16xf32, #tpu.memory_space<vmem_shared>>)
          } else {
          }
          %add3A_189 = arith.constant 3 : i32
          %add3A_190 = arith.addi %add3A_146, %add3A_189 : i32
          %mul3A_191 = arith.constant 128 : i32
          %mul3A_192 = arith.muli %add3A_190, %mul3A_191 : i32
          %dma_start3A_193 = arith.constant 2 : i32
          %dma_start3A_194 = arith.constant 2 : i32
          %dma_start3A_195 = arith.constant 0 : i32
          %dma_start3A_196 = arith.constant 0 : i32
          %dma_start3A_197 = tpu.memref_slice %arg8[%dma_start3A_193, %dma_start3A_195, %dma_start3A_196] : memref<4x128x16xf32, #tpu.memory_space<vmem>> -> memref<1x128x16xf32, #tpu.memory_space<vmem>>
          %dma_start3A_198 = tpu.memref_squeeze %dma_start3A_197 : memref<1x128x16xf32, #tpu.memory_space<vmem>> -> memref<128x16xf32, #tpu.memory_space<vmem>>
          %dma_start3A_199 = tpu.memref_slice %arg6[%mul3A_192] : memref<10112xi32, #tpu.memory_space<vmem>> -> memref<128xi32, #tpu.memory_space<vmem>>
          %dma_start3A_200 = arith.constant 0 : i32
          %dma_start3A_201 = arith.constant 0 : i32
          %dma_start3A_202 = tpu.memref_slice %arg10[%dma_start3A_200, %dma_start3A_201] : memref<10112x16xf32, #tpu.memory_space<vmem_shared>> -> memref<10112x16xf32, #tpu.memory_space<vmem_shared>>
          %dma_start3A_203 = tpu.memref_slice %arg11[%dma_start3A_194] : memref<4x!tpu.dma_semaphore, #tpu.memory_space<semaphore_mem>> -> memref<1x!tpu.dma_semaphore, #tpu.memory_space<semaphore_mem>>
          %dma_start3A_204 = tpu.memref_squeeze %dma_start3A_203 : memref<1x!tpu.dma_semaphore, #tpu.memory_space<semaphore_mem>> -> memref<!tpu.dma_semaphore, #tpu.memory_space<semaphore_mem>>
          tpu.enqueue_indirect_dma source(%dma_start3A_202 : memref<10112x16xf32, #tpu.memory_space<vmem_shared>>) target(%dma_start3A_198 : memref<128x16xf32, #tpu.memory_space<vmem>>) offsets(%dma_start3A_199 : memref<128xi32, #tpu.memory_space<vmem>>) semaphore(%dma_start3A_204 : memref<!tpu.dma_semaphore, #tpu.memory_space<semaphore_mem>>)
        } else {
        }
      } else {
      }
    }
    %scan3A_67 = arith.constant 20 : i32
    %dma_wait3A = arith.constant 0 : i32
    %dma_wait3A_68 = arith.constant 0 : i32
    %dma_wait3A_69 = arith.constant 0 : i32
    %dma_wait3A_70 = arith.constant 0 : i32
    %dma_wait3A_71 = tpu.memref_slice %arg8[%dma_wait3A, %dma_wait3A_69, %dma_wait3A_70] : memref<4x128x16xf32, #tpu.memory_space<vmem>> -> memref<1x128x16xf32, #tpu.memory_space<vmem>>
    %dma_wait3A_72 = tpu.memref_squeeze %dma_wait3A_71 : memref<1x128x16xf32, #tpu.memory_space<vmem>> -> memref<128x16xf32, #tpu.memory_space<vmem>>
    %dma_wait3A_73 = arith.constant 0 : i32
    %dma_wait3A_74 = tpu.memref_slice %arg7[%dma_wait3A_73] : memref<10112xi32, #tpu.memory_space<vmem>> -> memref<128xi32, #tpu.memory_space<vmem>>
    %dma_wait3A_75 = arith.constant 0 : i32
    %dma_wait3A_76 = arith.constant 0 : i32
    %dma_wait3A_77 = tpu.memref_slice %arg9[%dma_wait3A_75, %dma_wait3A_76] : memref<10112x16xf32, #tpu.memory_space<vmem_shared>> -> memref<10112x16xf32, #tpu.memory_space<vmem_shared>>
    %dma_wait3A_78 = tpu.memref_slice %arg12[%dma_wait3A_68] : memref<4x!tpu.dma_semaphore, #tpu.memory_space<semaphore_mem>> -> memref<1x!tpu.dma_semaphore, #tpu.memory_space<semaphore_mem>>
    %dma_wait3A_79 = tpu.memref_squeeze %dma_wait3A_78 : memref<1x!tpu.dma_semaphore, #tpu.memory_space<semaphore_mem>> -> memref<!tpu.dma_semaphore, #tpu.memory_space<semaphore_mem>>
    tpu.wait_indirect_dma semaphore(%dma_wait3A_79 : memref<!tpu.dma_semaphore, #tpu.memory_space<semaphore_mem>>) src(%dma_wait3A_72 : memref<128x16xf32, #tpu.memory_space<vmem>>) dst(%dma_wait3A_77 : memref<10112x16xf32, #tpu.memory_space<vmem_shared>>)
    %dma_wait3A_80 = arith.constant 1 : i32
    %dma_wait3A_81 = arith.constant 1 : i32
    %dma_wait3A_82 = arith.constant 0 : i32
    %dma_wait3A_83 = arith.constant 0 : i32
    %dma_wait3A_84 = tpu.memref_slice %arg8[%dma_wait3A_80, %dma_wait3A_82, %dma_wait3A_83] : memref<4x128x16xf32, #tpu.memory_space<vmem>> -> memref<1x128x16xf32, #tpu.memory_space<vmem>>
    %dma_wait3A_85 = tpu.memref_squeeze %dma_wait3A_84 : memref<1x128x16xf32, #tpu.memory_space<vmem>> -> memref<128x16xf32, #tpu.memory_space<vmem>>
    %dma_wait3A_86 = arith.constant 0 : i32
    %dma_wait3A_87 = tpu.memref_slice %arg7[%dma_wait3A_86] : memref<10112xi32, #tpu.memory_space<vmem>> -> memref<128xi32, #tpu.memory_space<vmem>>
    %dma_wait3A_88 = arith.constant 0 : i32
    %dma_wait3A_89 = arith.constant 0 : i32
    %dma_wait3A_90 = tpu.memref_slice %arg9[%dma_wait3A_88, %dma_wait3A_89] : memref<10112x16xf32, #tpu.memory_space<vmem_shared>> -> memref<10112x16xf32, #tpu.memory_space<vmem_shared>>
    %dma_wait3A_91 = tpu.memref_slice %arg12[%dma_wait3A_81] : memref<4x!tpu.dma_semaphore, #tpu.memory_space<semaphore_mem>> -> memref<1x!tpu.dma_semaphore, #tpu.memory_space<semaphore_mem>>
    %dma_wait3A_92 = tpu.memref_squeeze %dma_wait3A_91 : memref<1x!tpu.dma_semaphore, #tpu.memory_space<semaphore_mem>> -> memref<!tpu.dma_semaphore, #tpu.memory_space<semaphore_mem>>
    tpu.wait_indirect_dma semaphore(%dma_wait3A_92 : memref<!tpu.dma_semaphore, #tpu.memory_space<semaphore_mem>>) src(%dma_wait3A_85 : memref<128x16xf32, #tpu.memory_space<vmem>>) dst(%dma_wait3A_90 : memref<10112x16xf32, #tpu.memory_space<vmem_shared>>)
    %dma_wait3A_93 = arith.constant 2 : i32
    %dma_wait3A_94 = arith.constant 2 : i32
    %dma_wait3A_95 = arith.constant 0 : i32
    %dma_wait3A_96 = arith.constant 0 : i32
    %dma_wait3A_97 = tpu.memref_slice %arg8[%dma_wait3A_93, %dma_wait3A_95, %dma_wait3A_96] : memref<4x128x16xf32, #tpu.memory_space<vmem>> -> memref<1x128x16xf32, #tpu.memory_space<vmem>>
    %dma_wait3A_98 = tpu.memref_squeeze %dma_wait3A_97 : memref<1x128x16xf32, #tpu.memory_space<vmem>> -> memref<128x16xf32, #tpu.memory_space<vmem>>
    %dma_wait3A_99 = arith.constant 0 : i32
    %dma_wait3A_100 = tpu.memref_slice %arg7[%dma_wait3A_99] : memref<10112xi32, #tpu.memory_space<vmem>> -> memref<128xi32, #tpu.memory_space<vmem>>
    %dma_wait3A_101 = arith.constant 0 : i32
    %dma_wait3A_102 = arith.constant 0 : i32
    %dma_wait3A_103 = tpu.memref_slice %arg9[%dma_wait3A_101, %dma_wait3A_102] : memref<10112x16xf32, #tpu.memory_space<vmem_shared>> -> memref<10112x16xf32, #tpu.memory_space<vmem_shared>>
    %dma_wait3A_104 = tpu.memref_slice %arg12[%dma_wait3A_94] : memref<4x!tpu.dma_semaphore, #tpu.memory_space<semaphore_mem>> -> memref<1x!tpu.dma_semaphore, #tpu.memory_space<semaphore_mem>>
    %dma_wait3A_105 = tpu.memref_squeeze %dma_wait3A_104 : memref<1x!tpu.dma_semaphore, #tpu.memory_space<semaphore_mem>> -> memref<!tpu.dma_semaphore, #tpu.memory_space<semaphore_mem>>
    tpu.wait_indirect_dma semaphore(%dma_wait3A_105 : memref<!tpu.dma_semaphore, #tpu.memory_space<semaphore_mem>>) src(%dma_wait3A_98 : memref<128x16xf32, #tpu.memory_space<vmem>>) dst(%dma_wait3A_103 : memref<10112x16xf32, #tpu.memory_space<vmem_shared>>)
    %dma_wait3A_106 = arith.constant 3 : i32
    %dma_wait3A_107 = arith.constant 3 : i32
    %dma_wait3A_108 = arith.constant 0 : i32
    %dma_wait3A_109 = arith.constant 0 : i32
    %dma_wait3A_110 = tpu.memref_slice %arg8[%dma_wait3A_106, %dma_wait3A_108, %dma_wait3A_109] : memref<4x128x16xf32, #tpu.memory_space<vmem>> -> memref<1x128x16xf32, #tpu.memory_space<vmem>>
    %dma_wait3A_111 = tpu.memref_squeeze %dma_wait3A_110 : memref<1x128x16xf32, #tpu.memory_space<vmem>> -> memref<128x16xf32, #tpu.memory_space<vmem>>
    %dma_wait3A_112 = arith.constant 0 : i32
    %dma_wait3A_113 = tpu.memref_slice %arg7[%dma_wait3A_112] : memref<10112xi32, #tpu.memory_space<vmem>> -> memref<128xi32, #tpu.memory_space<vmem>>
    %dma_wait3A_114 = arith.constant 0 : i32
    %dma_wait3A_115 = arith.constant 0 : i32
    %dma_wait3A_116 = tpu.memref_slice %arg9[%dma_wait3A_114, %dma_wait3A_115] : memref<10112x16xf32, #tpu.memory_space<vmem_shared>> -> memref<10112x16xf32, #tpu.memory_space<vmem_shared>>
    %dma_wait3A_117 = tpu.memref_slice %arg12[%dma_wait3A_107] : memref<4x!tpu.dma_semaphore, #tpu.memory_space<semaphore_mem>> -> memref<1x!tpu.dma_semaphore, #tpu.memory_space<semaphore_mem>>
    %dma_wait3A_118 = tpu.memref_squeeze %dma_wait3A_117 : memref<1x!tpu.dma_semaphore, #tpu.memory_space<semaphore_mem>> -> memref<!tpu.dma_semaphore, #tpu.memory_space<semaphore_mem>>
    tpu.wait_indirect_dma semaphore(%dma_wait3A_118 : memref<!tpu.dma_semaphore, #tpu.memory_space<semaphore_mem>>) src(%dma_wait3A_111 : memref<128x16xf32, #tpu.memory_space<vmem>>) dst(%dma_wait3A_116 : memref<10112x16xf32, #tpu.memory_space<vmem_shared>>)
    %barrier3A_119 = arith.constant 0 : index
    tpu.barrier barrier_id(%barrier3A_119)
    %mul3A_120 = arith.constant 632 : i32
    %mul3A_121 = arith.muli %arg1, %mul3A_120 : i32
    %mul3A_122 = arith.constant 632 : i32
    %mul3A_123 = arith.muli %arg1, %mul3A_122 : i32
    "tpu.region"() ({
      %run_scoped3A_124 = tpu.sem_alloc : memref<!tpu.dma_semaphore, #tpu.memory_space<semaphore_mem>>
      %dma_start3A_125 = arith.constant 0 : i32
      %dma_start3A_126 = tpu.memref_slice %arg5[%arg0, %mul3A_123, %dma_start3A_125] : memref<2x10112x16xf32, #tpu.memory_space<hbm>> -> memref<1x632x16xf32, #tpu.memory_space<hbm>>
      %dma_start3A_127 = tpu.memref_squeeze %dma_start3A_126 : memref<1x632x16xf32, #tpu.memory_space<hbm>> -> memref<632x16xf32, #tpu.memory_space<hbm>>
      %dma_start3A_128 = arith.constant 0 : i32
      %dma_start3A_129 = tpu.memref_slice %arg9[%mul3A_121, %dma_start3A_128] : memref<10112x16xf32, #tpu.memory_space<vmem_shared>> -> memref<632x16xf32, #tpu.memory_space<vmem_shared>>
      tpu.enqueue_dma source(%dma_start3A_129 : memref<632x16xf32, #tpu.memory_space<vmem_shared>>) target(%dma_start3A_127 : memref<632x16xf32, #tpu.memory_space<hbm>>) target_semaphore(%run_scoped3A_124 : memref<!tpu.dma_semaphore, #tpu.memory_space<semaphore_mem>>)
      %dma_wait3A_130 = arith.constant 0 : i32
      %dma_wait3A_131 = tpu.memref_slice %arg5[%arg0, %mul3A_123, %dma_wait3A_130] : memref<2x10112x16xf32, #tpu.memory_space<hbm>> -> memref<1x632x16xf32, #tpu.memory_space<hbm>>
      %dma_wait3A_132 = tpu.memref_squeeze %dma_wait3A_131 : memref<1x632x16xf32, #tpu.memory_space<hbm>> -> memref<632x16xf32, #tpu.memory_space<hbm>>
      %dma_wait3A_133 = arith.constant 0 : i32
      %dma_wait3A_134 = tpu.memref_slice %arg9[%mul3A_121, %dma_wait3A_133] : memref<10112x16xf32, #tpu.memory_space<vmem_shared>> -> memref<632x16xf32, #tpu.memory_space<vmem_shared>>
      tpu.wait_dma2 semaphore(%run_scoped3A_124 : memref<!tpu.dma_semaphore, #tpu.memory_space<semaphore_mem>>) src(%dma_wait3A_134 : memref<632x16xf32, #tpu.memory_space<vmem_shared>>) dst(%dma_wait3A_132 : memref<632x16xf32, #tpu.memory_space<hbm>>)
      tpu.yield
    }) : () -> ()
    return
  }
}

#map = affine_map<(d0, d1) -> (0, 0)>
#map1 = affine_map<(d0, d1) -> (0, 0, 0)>
module attributes {stable_mosaic.version = 14 : i64} {
  func.func @segsum(%arg0: i32, %arg1: i32, %arg2: memref<2x320000xi32, #tpu.memory_space<hbm>>, %arg3: memref<2x10112x16xf32, #tpu.memory_space<hbm>>, %arg4: memref<10112x16xf32, #tpu.memory_space<hbm>>, %arg5: memref<2x10112x16xf32, #tpu.memory_space<hbm>>, %arg6: memref<10112xi32, #tpu.memory_space<vmem>>, %arg7: memref<10112xi32, #tpu.memory_space<vmem>>, %arg8: memref<4x128x16xf32, #tpu.memory_space<vmem>>, %arg9: memref<10112x16xf32, #tpu.memory_space<vmem_shared>>, %arg10: memref<10112x16xf32, #tpu.memory_space<vmem_shared>>, %arg11: memref<4x!tpu.dma_semaphore, #tpu.memory_space<semaphore_mem>>, %arg12: memref<4x!tpu.dma_semaphore, #tpu.memory_space<semaphore_mem>>, %arg13: memref<632x16xf32, #tpu.memory_space<vmem>>, %arg14: memref<632x16xf32, #tpu.memory_space<vmem>>) attributes {dimension_semantics = [#tpu.dimension_semantics<core_parallel>, #tpu.dimension_semantics<subcore_parallel>], iteration_bounds = array<i64: 2, 16>, scalar_prefetch = 0 : i64, scratch_operands = 9 : i64, tpu.core_type = #tpu.core_type<sc_vector_subcore>, window_params = [{transform_indices = #map}, {transform_indices = #map1}, {transform_indices = #map}, {transform_indices = #map1}]} {
    %mul3A = arith.constant 2 : i32
    %mul3A_0 = arith.muli %arg1, %mul3A : i32
    %add3A = arith.addi %mul3A_0, %arg0 : i32
    %lt3A = arith.constant 28 : i32
    %lt3A_1 = arith.cmpi slt, %add3A, %lt3A : i32
    %jit3A = arith.constant 78 : i32
    %jit3A_2 = arith.constant 79 : i32
    %select_n3A = arith.select %lt3A_1, %jit3A, %jit3A_2 : i32
    %mul3A_3 = arith.constant 632 : i32
    %mul3A_4 = arith.muli %arg1, %mul3A_3 : i32
    %mul3A_5 = arith.constant 632 : i32
    %mul3A_6 = arith.muli %arg1, %mul3A_5 : i32
    "tpu.region"() ({
      %run_scoped3A_133 = tpu.sem_alloc : memref<!tpu.dma_semaphore, #tpu.memory_space<semaphore_mem>>
      %dma_start3A_134 = arith.constant 0 : i32
      %dma_start3A_135 = tpu.memref_slice %arg9[%mul3A_6, %dma_start3A_134] : memref<10112x16xf32, #tpu.memory_space<vmem_shared>> -> memref<632x16xf32, #tpu.memory_space<vmem_shared>>
      %dma_start3A_136 = arith.constant 0 : i32
      %dma_start3A_137 = tpu.memref_slice %arg4[%mul3A_4, %dma_start3A_136] : memref<10112x16xf32, #tpu.memory_space<hbm>> -> memref<632x16xf32, #tpu.memory_space<hbm>>
      tpu.enqueue_dma source(%dma_start3A_137 : memref<632x16xf32, #tpu.memory_space<hbm>>) target(%dma_start3A_135 : memref<632x16xf32, #tpu.memory_space<vmem_shared>>) target_semaphore(%run_scoped3A_133 : memref<!tpu.dma_semaphore, #tpu.memory_space<semaphore_mem>>)
      %dma_wait3A_138 = arith.constant 0 : i32
      %dma_wait3A_139 = tpu.memref_slice %arg9[%mul3A_6, %dma_wait3A_138] : memref<10112x16xf32, #tpu.memory_space<vmem_shared>> -> memref<632x16xf32, #tpu.memory_space<vmem_shared>>
      %dma_wait3A_140 = arith.constant 0 : i32
      %dma_wait3A_141 = tpu.memref_slice %arg4[%mul3A_4, %dma_wait3A_140] : memref<10112x16xf32, #tpu.memory_space<hbm>> -> memref<632x16xf32, #tpu.memory_space<hbm>>
      tpu.wait_dma2 semaphore(%run_scoped3A_133 : memref<!tpu.dma_semaphore, #tpu.memory_space<semaphore_mem>>) src(%dma_wait3A_141 : memref<632x16xf32, #tpu.memory_space<hbm>>) dst(%dma_wait3A_139 : memref<632x16xf32, #tpu.memory_space<vmem_shared>>)
      tpu.yield
    }) : () -> ()
    %mul3A_7 = arith.constant 632 : i32
    %mul3A_8 = arith.muli %arg1, %mul3A_7 : i32
    %run_scoped3A = arith.constant 0 : i32
    "tpu.region"() ({
      %run_scoped3A_133 = tpu.sem_alloc : memref<!tpu.dma_semaphore, #tpu.memory_space<semaphore_mem>>
      %dma_start3A_134 = arith.constant 0 : i32
      %dma_start3A_135 = tpu.memref_slice %arg3[%run_scoped3A, %mul3A_8, %dma_start3A_134] : memref<2x10112x16xf32, #tpu.memory_space<hbm>> -> memref<1x632x16xf32, #tpu.memory_space<hbm>>
      %dma_start3A_136 = tpu.memref_squeeze %dma_start3A_135 : memref<1x632x16xf32, #tpu.memory_space<hbm>> -> memref<632x16xf32, #tpu.memory_space<hbm>>
      %dma_start3A_137 = arith.constant 0 : i32
      %dma_start3A_138 = tpu.memref_slice %arg3[%run_scoped3A, %mul3A_8, %dma_start3A_137] : memref<2x10112x16xf32, #tpu.memory_space<hbm>> -> memref<1x632x16xf32, #tpu.memory_space<hbm>>
      %dma_start3A_139 = tpu.memref_squeeze %dma_start3A_138 : memref<1x632x16xf32, #tpu.memory_space<hbm>> -> memref<632x16xf32, #tpu.memory_space<hbm>>
      tpu.enqueue_dma source(%dma_start3A_139 : memref<632x16xf32, #tpu.memory_space<hbm>>) target(%arg13 : memref<632x16xf32, #tpu.memory_space<vmem>>) target_semaphore(%run_scoped3A_133 : memref<!tpu.dma_semaphore, #tpu.memory_space<semaphore_mem>>)
      %dma_wait3A_140 = arith.constant 0 : i32
      %dma_wait3A_141 = tpu.memref_slice %arg3[%run_scoped3A, %mul3A_8, %dma_wait3A_140] : memref<2x10112x16xf32, #tpu.memory_space<hbm>> -> memref<1x632x16xf32, #tpu.memory_space<hbm>>
      %dma_wait3A_142 = tpu.memref_squeeze %dma_wait3A_141 : memref<1x632x16xf32, #tpu.memory_space<hbm>> -> memref<632x16xf32, #tpu.memory_space<hbm>>
      %dma_wait3A_143 = arith.constant 0 : i32
      %dma_wait3A_144 = tpu.memref_slice %arg3[%run_scoped3A, %mul3A_8, %dma_wait3A_143] : memref<2x10112x16xf32, #tpu.memory_space<hbm>> -> memref<1x632x16xf32, #tpu.memory_space<hbm>>
      %dma_wait3A_145 = tpu.memref_squeeze %dma_wait3A_144 : memref<1x632x16xf32, #tpu.memory_space<hbm>> -> memref<632x16xf32, #tpu.memory_space<hbm>>
      tpu.wait_dma2 semaphore(%run_scoped3A_133 : memref<!tpu.dma_semaphore, #tpu.memory_space<semaphore_mem>>) src(%dma_wait3A_145 : memref<632x16xf32, #tpu.memory_space<hbm>>) dst(%arg13 : memref<632x16xf32, #tpu.memory_space<vmem>>)
      tpu.yield
    }) : () -> ()
    %mul3A_9 = arith.constant 632 : i32
    %mul3A_10 = arith.muli %arg1, %mul3A_9 : i32
    %run_scoped3A_11 = arith.constant 1 : i32
    "tpu.region"() ({
      %run_scoped3A_133 = tpu.sem_alloc : memref<!tpu.dma_semaphore, #tpu.memory_space<semaphore_mem>>
      %dma_start3A_134 = arith.constant 0 : i32
      %dma_start3A_135 = tpu.memref_slice %arg3[%run_scoped3A_11, %mul3A_10, %dma_start3A_134] : memref<2x10112x16xf32, #tpu.memory_space<hbm>> -> memref<1x632x16xf32, #tpu.memory_space<hbm>>
      %dma_start3A_136 = tpu.memref_squeeze %dma_start3A_135 : memref<1x632x16xf32, #tpu.memory_space<hbm>> -> memref<632x16xf32, #tpu.memory_space<hbm>>
      %dma_start3A_137 = arith.constant 0 : i32
      %dma_start3A_138 = tpu.memref_slice %arg3[%run_scoped3A_11, %mul3A_10, %dma_start3A_137] : memref<2x10112x16xf32, #tpu.memory_space<hbm>> -> memref<1x632x16xf32, #tpu.memory_space<hbm>>
      %dma_start3A_139 = tpu.memref_squeeze %dma_start3A_138 : memref<1x632x16xf32, #tpu.memory_space<hbm>> -> memref<632x16xf32, #tpu.memory_space<hbm>>
      tpu.enqueue_dma source(%dma_start3A_139 : memref<632x16xf32, #tpu.memory_space<hbm>>) target(%arg14 : memref<632x16xf32, #tpu.memory_space<vmem>>) target_semaphore(%run_scoped3A_133 : memref<!tpu.dma_semaphore, #tpu.memory_space<semaphore_mem>>)
      %dma_wait3A_140 = arith.constant 0 : i32
      %dma_wait3A_141 = tpu.memref_slice %arg3[%run_scoped3A_11, %mul3A_10, %dma_wait3A_140] : memref<2x10112x16xf32, #tpu.memory_space<hbm>> -> memref<1x632x16xf32, #tpu.memory_space<hbm>>
      %dma_wait3A_142 = tpu.memref_squeeze %dma_wait3A_141 : memref<1x632x16xf32, #tpu.memory_space<hbm>> -> memref<632x16xf32, #tpu.memory_space<hbm>>
      %dma_wait3A_143 = arith.constant 0 : i32
      %dma_wait3A_144 = tpu.memref_slice %arg3[%run_scoped3A_11, %mul3A_10, %dma_wait3A_143] : memref<2x10112x16xf32, #tpu.memory_space<hbm>> -> memref<1x632x16xf32, #tpu.memory_space<hbm>>
      %dma_wait3A_145 = tpu.memref_squeeze %dma_wait3A_144 : memref<1x632x16xf32, #tpu.memory_space<hbm>> -> memref<632x16xf32, #tpu.memory_space<hbm>>
      tpu.wait_dma2 semaphore(%run_scoped3A_133 : memref<!tpu.dma_semaphore, #tpu.memory_space<semaphore_mem>>) src(%dma_wait3A_145 : memref<632x16xf32, #tpu.memory_space<hbm>>) dst(%arg14 : memref<632x16xf32, #tpu.memory_space<vmem>>)
      tpu.yield
    }) : () -> ()
    %scan3A = arith.constant 0 : i32
    %scan3A_12 = arith.constant 632 : i32
    %scan3A_13 = arith.addi %scan3A, %scan3A_12 : i32
    %scan3A_14 = arith.constant 1 : i32
    scf.for %scan3A_133 = %scan3A to %scan3A_13 step %scan3A_14  : i32 {
      %mul3A_134 = arith.constant 1 : i32
      %mul3A_135 = arith.muli %scan3A_133, %mul3A_134 : i32
      %add3A_136 = arith.constant 0 : i32
      %add3A_137 = arith.addi %add3A_136, %mul3A_135 : i32
      %get3A = arith.index_cast %add3A_137 : i32 to index
      %get3A_138 = arith.constant 0 : index
      %get3A_139 = tpu.vector_load %arg13[%get3A, %get3A_138] {strides = array<i32>} : memref<632x16xf32, #tpu.memory_space<vmem>>, vector<1x16xf32>,
      %get3A_140 = vector.shape_cast %get3A_139 : vector<1x16xf32> to vector<16xf32>
      %get3A_141 = arith.index_cast %add3A_137 : i32 to index
      %get3A_142 = arith.constant 0 : index
      %get3A_143 = tpu.vector_load %arg14[%get3A_141, %get3A_142] {strides = array<i32>} : memref<632x16xf32, #tpu.memory_space<vmem>>, vector<1x16xf32>,
      %get3A_144 = vector.shape_cast %get3A_143 : vector<1x16xf32> to vector<16xf32>
      %add3A_145 = arith.addf %get3A_140, %get3A_144 : vector<16xf32>
      %max3A = arith.constant 0.000000e+00 : f32
      %max3A_146 = vector.broadcast %max3A : f32 to vector<16xf32>
      %max3A_147 = arith.maximumf %add3A_145, %max3A_146 : vector<16xf32>
      %swap3A = arith.index_cast %add3A_137 : i32 to index
      %swap3A_148 = arith.constant 0 : index
      %swap3A_149 = tpu.vector_load %arg13[%swap3A, %swap3A_148] {strides = array<i32>} : memref<632x16xf32, #tpu.memory_space<vmem>>, vector<1x16xf32>,
      %swap3A_150 = vector.shape_cast %swap3A_149 : vector<1x16xf32> to vector<16xf32>
      %swap3A_151 = vector.shape_cast %max3A_147 : vector<16xf32> to vector<1x16xf32>
      tpu.vector_store %arg13[%swap3A, %swap3A_148], %swap3A_151 {strides = array<i32>} : memref<632x16xf32, #tpu.memory_space<vmem>>, vector<1x16xf32>,
    }
    %scan3A_15 = arith.constant 632 : i32
    %mul3A_16 = arith.constant 632 : i32
    %mul3A_17 = arith.muli %arg1, %mul3A_16 : i32
    "tpu.region"() ({
      %run_scoped3A_133 = tpu.sem_alloc : memref<!tpu.dma_semaphore, #tpu.memory_space<semaphore_mem>>
      %dma_start3A_134 = arith.constant 0 : i32
      %dma_start3A_135 = tpu.memref_slice %arg10[%mul3A_17, %dma_start3A_134] : memref<10112x16xf32, #tpu.memory_space<vmem_shared>> -> memref<632x16xf32, #tpu.memory_space<vmem_shared>>
      %dma_start3A_136 = arith.constant 0 : i32
      %dma_start3A_137 = tpu.memref_slice %arg10[%mul3A_17, %dma_start3A_136] : memref<10112x16xf32, #tpu.memory_space<vmem_shared>> -> memref<632x16xf32, #tpu.memory_space<vmem_shared>>
      tpu.enqueue_dma source(%arg13 : memref<632x16xf32, #tpu.memory_space<vmem>>) target(%dma_start3A_137 : memref<632x16xf32, #tpu.memory_space<vmem_shared>>) target_semaphore(%run_scoped3A_133 : memref<!tpu.dma_semaphore, #tpu.memory_space<semaphore_mem>>)
      %dma_wait3A_138 = arith.constant 0 : i32
      %dma_wait3A_139 = tpu.memref_slice %arg10[%mul3A_17, %dma_wait3A_138] : memref<10112x16xf32, #tpu.memory_space<vmem_shared>> -> memref<632x16xf32, #tpu.memory_space<vmem_shared>>
      %dma_wait3A_140 = arith.constant 0 : i32
      %dma_wait3A_141 = tpu.memref_slice %arg10[%mul3A_17, %dma_wait3A_140] : memref<10112x16xf32, #tpu.memory_space<vmem_shared>> -> memref<632x16xf32, #tpu.memory_space<vmem_shared>>
      tpu.wait_dma2 semaphore(%run_scoped3A_133 : memref<!tpu.dma_semaphore, #tpu.memory_space<semaphore_mem>>) src(%arg13 : memref<632x16xf32, #tpu.memory_space<vmem>>) dst(%dma_wait3A_141 : memref<632x16xf32, #tpu.memory_space<vmem_shared>>)
      tpu.yield
    }) : () -> ()
    %barrier3A = arith.constant 0 : index
    tpu.barrier barrier_id(%barrier3A)
    %lt3A_18 = arith.constant 28 : i32
    %lt3A_19 = arith.cmpi slt, %add3A, %lt3A_18 : i32
    %mul3A_20 = arith.constant 78 : i32
    %mul3A_21 = arith.muli %mul3A_20, %add3A : i32
    %sub3A = arith.constant 28 : i32
    %sub3A_22 = arith.subi %add3A, %sub3A : i32
    %mul3A_23 = arith.constant 79 : i32
    %mul3A_24 = arith.muli %mul3A_23, %sub3A_22 : i32
    %add3A_25 = arith.constant 2184 : i32
    %add3A_26 = arith.addi %add3A_25, %mul3A_24 : i32
    %select_n3A_27 = arith.select %lt3A_19, %mul3A_21, %add3A_26 : i32
    %mul3A_28 = arith.constant 128 : i32
    %mul3A_29 = arith.muli %select_n3A_27, %mul3A_28 : i32
    %run_scoped3A_30 = arith.constant 0 : i32
    "tpu.region"() ({
      %run_scoped3A_133 = tpu.sem_alloc : memref<!tpu.dma_semaphore, #tpu.memory_space<semaphore_mem>>
      %dma_start3A_134 = tpu.memref_slice %arg2[%run_scoped3A_30, %mul3A_29] : memref<2x320000xi32, #tpu.memory_space<hbm>> -> memref<1x10112xi32, #tpu.memory_space<hbm>>
      %dma_start3A_135 = tpu.memref_squeeze %dma_start3A_134 : memref<1x10112xi32, #tpu.memory_space<hbm>> -> memref<10112xi32, #tpu.memory_space<hbm>>
      %dma_start3A_136 = tpu.memref_slice %arg2[%run_scoped3A_30, %mul3A_29] : memref<2x320000xi32, #tpu.memory_space<hbm>> -> memref<1x10112xi32, #tpu.memory_space<hbm>>
      %dma_start3A_137 = tpu.memref_squeeze %dma_start3A_136 : memref<1x10112xi32, #tpu.memory_space<hbm>> -> memref<10112xi32, #tpu.memory_space<hbm>>
      tpu.enqueue_dma source(%dma_start3A_137 : memref<10112xi32, #tpu.memory_space<hbm>>) target(%arg6 : memref<10112xi32, #tpu.memory_space<vmem>>) target_semaphore(%run_scoped3A_133 : memref<!tpu.dma_semaphore, #tpu.memory_space<semaphore_mem>>)
      %dma_wait3A_138 = tpu.memref_slice %arg2[%run_scoped3A_30, %mul3A_29] : memref<2x320000xi32, #tpu.memory_space<hbm>> -> memref<1x10112xi32, #tpu.memory_space<hbm>>
      %dma_wait3A_139 = tpu.memref_squeeze %dma_wait3A_138 : memref<1x10112xi32, #tpu.memory_space<hbm>> -> memref<10112xi32, #tpu.memory_space<hbm>>
      %dma_wait3A_140 = tpu.memref_slice %arg2[%run_scoped3A_30, %mul3A_29] : memref<2x320000xi32, #tpu.memory_space<hbm>> -> memref<1x10112xi32, #tpu.memory_space<hbm>>
      %dma_wait3A_141 = tpu.memref_squeeze %dma_wait3A_140 : memref<1x10112xi32, #tpu.memory_space<hbm>> -> memref<10112xi32, #tpu.memory_space<hbm>>
      tpu.wait_dma2 semaphore(%run_scoped3A_133 : memref<!tpu.dma_semaphore, #tpu.memory_space<semaphore_mem>>) src(%dma_wait3A_141 : memref<10112xi32, #tpu.memory_space<hbm>>) dst(%arg6 : memref<10112xi32, #tpu.memory_space<vmem>>)
      tpu.yield
    }) : () -> ()
    %mul3A_31 = arith.constant 128 : i32
    %mul3A_32 = arith.muli %select_n3A_27, %mul3A_31 : i32
    %run_scoped3A_33 = arith.constant 1 : i32
    "tpu.region"() ({
      %run_scoped3A_133 = tpu.sem_alloc : memref<!tpu.dma_semaphore, #tpu.memory_space<semaphore_mem>>
      %dma_start3A_134 = tpu.memref_slice %arg2[%run_scoped3A_33, %mul3A_32] : memref<2x320000xi32, #tpu.memory_space<hbm>> -> memref<1x10112xi32, #tpu.memory_space<hbm>>
      %dma_start3A_135 = tpu.memref_squeeze %dma_start3A_134 : memref<1x10112xi32, #tpu.memory_space<hbm>> -> memref<10112xi32, #tpu.memory_space<hbm>>
      %dma_start3A_136 = tpu.memref_slice %arg2[%run_scoped3A_33, %mul3A_32] : memref<2x320000xi32, #tpu.memory_space<hbm>> -> memref<1x10112xi32, #tpu.memory_space<hbm>>
      %dma_start3A_137 = tpu.memref_squeeze %dma_start3A_136 : memref<1x10112xi32, #tpu.memory_space<hbm>> -> memref<10112xi32, #tpu.memory_space<hbm>>
      tpu.enqueue_dma source(%dma_start3A_137 : memref<10112xi32, #tpu.memory_space<hbm>>) target(%arg7 : memref<10112xi32, #tpu.memory_space<vmem>>) target_semaphore(%run_scoped3A_133 : memref<!tpu.dma_semaphore, #tpu.memory_space<semaphore_mem>>)
      %dma_wait3A_138 = tpu.memref_slice %arg2[%run_scoped3A_33, %mul3A_32] : memref<2x320000xi32, #tpu.memory_space<hbm>> -> memref<1x10112xi32, #tpu.memory_space<hbm>>
      %dma_wait3A_139 = tpu.memref_squeeze %dma_wait3A_138 : memref<1x10112xi32, #tpu.memory_space<hbm>> -> memref<10112xi32, #tpu.memory_space<hbm>>
      %dma_wait3A_140 = tpu.memref_slice %arg2[%run_scoped3A_33, %mul3A_32] : memref<2x320000xi32, #tpu.memory_space<hbm>> -> memref<1x10112xi32, #tpu.memory_space<hbm>>
      %dma_wait3A_141 = tpu.memref_squeeze %dma_wait3A_140 : memref<1x10112xi32, #tpu.memory_space<hbm>> -> memref<10112xi32, #tpu.memory_space<hbm>>
      tpu.wait_dma2 semaphore(%run_scoped3A_133 : memref<!tpu.dma_semaphore, #tpu.memory_space<semaphore_mem>>) src(%dma_wait3A_141 : memref<10112xi32, #tpu.memory_space<hbm>>) dst(%arg7 : memref<10112xi32, #tpu.memory_space<vmem>>)
      tpu.yield
    }) : () -> ()
    %dma_start3A = arith.constant 0 : i32
    %dma_start3A_34 = arith.constant 0 : i32
    %dma_start3A_35 = arith.constant 0 : i32
    %dma_start3A_36 = arith.constant 0 : i32
    %dma_start3A_37 = tpu.memref_slice %arg8[%dma_start3A, %dma_start3A_35, %dma_start3A_36] : memref<4x128x16xf32, #tpu.memory_space<vmem>> -> memref<1x128x16xf32, #tpu.memory_space<vmem>>
    %dma_start3A_38 = tpu.memref_squeeze %dma_start3A_37 : memref<1x128x16xf32, #tpu.memory_space<vmem>> -> memref<128x16xf32, #tpu.memory_space<vmem>>
    %dma_start3A_39 = arith.constant 0 : i32
    %dma_start3A_40 = tpu.memref_slice %arg6[%dma_start3A_39] : memref<10112xi32, #tpu.memory_space<vmem>> -> memref<128xi32, #tpu.memory_space<vmem>>
    %dma_start3A_41 = arith.constant 0 : i32
    %dma_start3A_42 = arith.constant 0 : i32
    %dma_start3A_43 = tpu.memref_slice %arg10[%dma_start3A_41, %dma_start3A_42] : memref<10112x16xf32, #tpu.memory_space<vmem_shared>> -> memref<10112x16xf32, #tpu.memory_space<vmem_shared>>
    %dma_start3A_44 = tpu.memref_slice %arg11[%dma_start3A_34] : memref<4x!tpu.dma_semaphore, #tpu.memory_space<semaphore_mem>> -> memref<1x!tpu.dma_semaphore, #tpu.memory_space<semaphore_mem>>
    %dma_start3A_45 = tpu.memref_squeeze %dma_start3A_44 : memref<1x!tpu.dma_semaphore, #tpu.memory_space<semaphore_mem>> -> memref<!tpu.dma_semaphore, #tpu.memory_space<semaphore_mem>>
    tpu.enqueue_indirect_dma source(%dma_start3A_43 : memref<10112x16xf32, #tpu.memory_space<vmem_shared>>) target(%dma_start3A_38 : memref<128x16xf32, #tpu.memory_space<vmem>>) offsets(%dma_start3A_40 : memref<128xi32, #tpu.memory_space<vmem>>) semaphore(%dma_start3A_45 : memref<!tpu.dma_semaphore, #tpu.memory_space<semaphore_mem>>)
    %dma_start3A_46 = arith.constant 1 : i32
    %dma_start3A_47 = arith.constant 1 : i32
    %dma_start3A_48 = arith.constant 0 : i32
    %dma_start3A_49 = arith.constant 0 : i32
    %dma_start3A_50 = tpu.memref_slice %arg8[%dma_start3A_46, %dma_start3A_48, %dma_start3A_49] : memref<4x128x16xf32, #tpu.memory_space<vmem>> -> memref<1x128x16xf32, #tpu.memory_space<vmem>>
    %dma_start3A_51 = tpu.memref_squeeze %dma_start3A_50 : memref<1x128x16xf32, #tpu.memory_space<vmem>> -> memref<128x16xf32, #tpu.memory_space<vmem>>
    %dma_start3A_52 = arith.constant 128 : i32
    %dma_start3A_53 = tpu.memref_slice %arg6[%dma_start3A_52] : memref<10112xi32, #tpu.memory_space<vmem>> -> memref<128xi32, #tpu.memory_space<vmem>>
    %dma_start3A_54 = arith.constant 0 : i32
    %dma_start3A_55 = arith.constant 0 : i32
    %dma_start3A_56 = tpu.memref_slice %arg10[%dma_start3A_54, %dma_start3A_55] : memref<10112x16xf32, #tpu.memory_space<vmem_shared>> -> memref<10112x16xf32, #tpu.memory_space<vmem_shared>>
    %dma_start3A_57 = tpu.memref_slice %arg11[%dma_start3A_47] : memref<4x!tpu.dma_semaphore, #tpu.memory_space<semaphore_mem>> -> memref<1x!tpu.dma_semaphore, #tpu.memory_space<semaphore_mem>>
    %dma_start3A_58 = tpu.memref_squeeze %dma_start3A_57 : memref<1x!tpu.dma_semaphore, #tpu.memory_space<semaphore_mem>> -> memref<!tpu.dma_semaphore, #tpu.memory_space<semaphore_mem>>
    tpu.enqueue_indirect_dma source(%dma_start3A_56 : memref<10112x16xf32, #tpu.memory_space<vmem_shared>>) target(%dma_start3A_51 : memref<128x16xf32, #tpu.memory_space<vmem>>) offsets(%dma_start3A_53 : memref<128xi32, #tpu.memory_space<vmem>>) semaphore(%dma_start3A_58 : memref<!tpu.dma_semaphore, #tpu.memory_space<semaphore_mem>>)
    %dma_start3A_59 = arith.constant 2 : i32
    %dma_start3A_60 = arith.constant 2 : i32
    %dma_start3A_61 = arith.constant 0 : i32
    %dma_start3A_62 = arith.constant 0 : i32
    %dma_start3A_63 = tpu.memref_slice %arg8[%dma_start3A_59, %dma_start3A_61, %dma_start3A_62] : memref<4x128x16xf32, #tpu.memory_space<vmem>> -> memref<1x128x16xf32, #tpu.memory_space<vmem>>
    %dma_start3A_64 = tpu.memref_squeeze %dma_start3A_63 : memref<1x128x16xf32, #tpu.memory_space<vmem>> -> memref<128x16xf32, #tpu.memory_space<vmem>>
    %dma_start3A_65 = arith.constant 256 : i32
    %dma_start3A_66 = tpu.memref_slice %arg6[%dma_start3A_65] : memref<10112xi32, #tpu.memory_space<vmem>> -> memref<128xi32, #tpu.memory_space<vmem>>
    %dma_start3A_67 = arith.constant 0 : i32
    %dma_start3A_68 = arith.constant 0 : i32
    %dma_start3A_69 = tpu.memref_slice %arg10[%dma_start3A_67, %dma_start3A_68] : memref<10112x16xf32, #tpu.memory_space<vmem_shared>> -> memref<10112x16xf32, #tpu.memory_space<vmem_shared>>
    %dma_start3A_70 = tpu.memref_slice %arg11[%dma_start3A_60] : memref<4x!tpu.dma_semaphore, #tpu.memory_space<semaphore_mem>> -> memref<1x!tpu.dma_semaphore, #tpu.memory_space<semaphore_mem>>
    %dma_start3A_71 = tpu.memref_squeeze %dma_start3A_70 : memref<1x!tpu.dma_semaphore, #tpu.memory_space<semaphore_mem>> -> memref<!tpu.dma_semaphore, #tpu.memory_space<semaphore_mem>>
    tpu.enqueue_indirect_dma source(%dma_start3A_69 : memref<10112x16xf32, #tpu.memory_space<vmem_shared>>) target(%dma_start3A_64 : memref<128x16xf32, #tpu.memory_space<vmem>>) offsets(%dma_start3A_66 : memref<128xi32, #tpu.memory_space<vmem>>) semaphore(%dma_start3A_71 : memref<!tpu.dma_semaphore, #tpu.memory_space<semaphore_mem>>)
    %scan3A_72 = arith.constant 0 : i32
    %scan3A_73 = arith.constant 20 : i32
    %scan3A_74 = arith.addi %scan3A_72, %scan3A_73 : i32
    %scan3A_75 = arith.constant 1 : i32
    scf.for %scan3A_133 = %scan3A_72 to %scan3A_74 step %scan3A_75  : i32 {
      %mul3A_134 = arith.constant 4 : i32
      %mul3A_135 = arith.muli %scan3A_133, %mul3A_134 : i32
      %add3A_136 = arith.constant 0 : i32
      %add3A_137 = arith.addi %add3A_136, %mul3A_135 : i32
      %add3A_138 = arith.constant 0 : i32
      %add3A_139 = arith.addi %add3A_137, %add3A_138 : i32
      %lt3A_140 = arith.cmpi slt, %add3A_139, %select_n3A : i32
      %convert_element_type3A = arith.extui %lt3A_140 : i1 to i32
      %cond3A = arith.constant 0 : i32
      %cond3A_141 = arith.cmpi ne, %convert_element_type3A, %cond3A : i32
      scf.if %cond3A_141 {
        %mul3A_160 = arith.constant 128 : i32
        %mul3A_161 = arith.muli %add3A_139, %mul3A_160 : i32
        %mul3A_162 = arith.constant 128 : i32
        %mul3A_163 = arith.muli %add3A_139, %mul3A_162 : i32
        %dma_wait3A_164 = arith.constant 0 : i32
        %dma_wait3A_165 = arith.constant 0 : i32
        %dma_wait3A_166 = arith.constant 0 : i32
        %dma_wait3A_167 = arith.constant 0 : i32
        %dma_wait3A_168 = tpu.memref_slice %arg8[%dma_wait3A_164, %dma_wait3A_166, %dma_wait3A_167] : memref<4x128x16xf32, #tpu.memory_space<vmem>> -> memref<1x128x16xf32, #tpu.memory_space<vmem>>
        %dma_wait3A_169 = tpu.memref_squeeze %dma_wait3A_168 : memref<1x128x16xf32, #tpu.memory_space<vmem>> -> memref<128x16xf32, #tpu.memory_space<vmem>>
        %dma_wait3A_170 = tpu.memref_slice %arg6[%mul3A_163] : memref<10112xi32, #tpu.memory_space<vmem>> -> memref<128xi32, #tpu.memory_space<vmem>>
        %dma_wait3A_171 = arith.constant 0 : i32
        %dma_wait3A_172 = arith.constant 0 : i32
        %dma_wait3A_173 = tpu.memref_slice %arg10[%dma_wait3A_171, %dma_wait3A_172] : memref<10112x16xf32, #tpu.memory_space<vmem_shared>> -> memref<10112x16xf32, #tpu.memory_space<vmem_shared>>
        %dma_wait3A_174 = tpu.memref_slice %arg11[%dma_wait3A_165] : memref<4x!tpu.dma_semaphore, #tpu.memory_space<semaphore_mem>> -> memref<1x!tpu.dma_semaphore, #tpu.memory_space<semaphore_mem>>
        %dma_wait3A_175 = tpu.memref_squeeze %dma_wait3A_174 : memref<1x!tpu.dma_semaphore, #tpu.memory_space<semaphore_mem>> -> memref<!tpu.dma_semaphore, #tpu.memory_space<semaphore_mem>>
        tpu.wait_indirect_dma semaphore(%dma_wait3A_175 : memref<!tpu.dma_semaphore, #tpu.memory_space<semaphore_mem>>) src(%dma_wait3A_173 : memref<10112x16xf32, #tpu.memory_space<vmem_shared>>) dst(%dma_wait3A_169 : memref<128x16xf32, #tpu.memory_space<vmem>>)
        %dma_start3A_176 = arith.constant 0 : i32
        %dma_start3A_177 = arith.constant 0 : i32
        %dma_start3A_178 = arith.constant 0 : i32
        %dma_start3A_179 = arith.constant 0 : i32
        %dma_start3A_180 = tpu.memref_slice %arg8[%dma_start3A_176, %dma_start3A_178, %dma_start3A_179] : memref<4x128x16xf32, #tpu.memory_space<vmem>> -> memref<1x128x16xf32, #tpu.memory_space<vmem>>
        %dma_start3A_181 = tpu.memref_squeeze %dma_start3A_180 : memref<1x128x16xf32, #tpu.memory_space<vmem>> -> memref<128x16xf32, #tpu.memory_space<vmem>>
        %dma_start3A_182 = tpu.memref_slice %arg7[%mul3A_161] : memref<10112xi32, #tpu.memory_space<vmem>> -> memref<128xi32, #tpu.memory_space<vmem>>
        %dma_start3A_183 = arith.constant 0 : i32
        %dma_start3A_184 = arith.constant 0 : i32
        %dma_start3A_185 = tpu.memref_slice %arg9[%dma_start3A_183, %dma_start3A_184] : memref<10112x16xf32, #tpu.memory_space<vmem_shared>> -> memref<10112x16xf32, #tpu.memory_space<vmem_shared>>
        %dma_start3A_186 = tpu.memref_slice %arg12[%dma_start3A_177] : memref<4x!tpu.dma_semaphore, #tpu.memory_space<semaphore_mem>> -> memref<1x!tpu.dma_semaphore, #tpu.memory_space<semaphore_mem>>
        %dma_start3A_187 = tpu.memref_squeeze %dma_start3A_186 : memref<1x!tpu.dma_semaphore, #tpu.memory_space<semaphore_mem>> -> memref<!tpu.dma_semaphore, #tpu.memory_space<semaphore_mem>>
        tpu.enqueue_indirect_dma source(%dma_start3A_181 : memref<128x16xf32, #tpu.memory_space<vmem>>) target(%dma_start3A_185 : memref<10112x16xf32, #tpu.memory_space<vmem_shared>>) offsets(%dma_start3A_182 : memref<128xi32, #tpu.memory_space<vmem>>) semaphore(%dma_start3A_187 : memref<!tpu.dma_semaphore, #tpu.memory_space<semaphore_mem>>) {add = true}
        %add3A_188 = arith.constant 3 : i32
        %add3A_189 = arith.addi %add3A_139, %add3A_188 : i32
        %lt3A_190 = arith.cmpi slt, %add3A_189, %select_n3A : i32
        %convert_element_type3A_191 = arith.extui %lt3A_190 : i1 to i32
        %cond3A_192 = arith.constant 0 : i32
        %cond3A_193 = arith.cmpi ne, %convert_element_type3A_191, %cond3A_192 : i32
        scf.if %cond3A_193 {
          %ge3A = arith.constant 1 : i32
          %ge3A_194 = arith.cmpi sge, %add3A_139, %ge3A : i32
          %convert_element_type3A_195 = arith.extui %ge3A_194 : i1 to i32
          %cond3A_196 = arith.constant 0 : i32
          %cond3A_197 = arith.cmpi ne, %convert_element_type3A_195, %cond3A_196 : i32
          scf.if %cond3A_197 {
            %dma_wait3A_214 = arith.constant 3 : i32
            %dma_wait3A_215 = arith.constant 3 : i32
            %dma_wait3A_216 = arith.constant 0 : i32
            %dma_wait3A_217 = arith.constant 0 : i32
            %dma_wait3A_218 = tpu.memref_slice %arg8[%dma_wait3A_214, %dma_wait3A_216, %dma_wait3A_217] : memref<4x128x16xf32, #tpu.memory_space<vmem>> -> memref<1x128x16xf32, #tpu.memory_space<vmem>>
            %dma_wait3A_219 = tpu.memref_squeeze %dma_wait3A_218 : memref<1x128x16xf32, #tpu.memory_space<vmem>> -> memref<128x16xf32, #tpu.memory_space<vmem>>
            %dma_wait3A_220 = tpu.memref_slice %arg7[%mul3A_161] : memref<10112xi32, #tpu.memory_space<vmem>> -> memref<128xi32, #tpu.memory_space<vmem>>
            %dma_wait3A_221 = arith.constant 0 : i32
            %dma_wait3A_222 = arith.constant 0 : i32
            %dma_wait3A_223 = tpu.memref_slice %arg9[%dma_wait3A_221, %dma_wait3A_222] : memref<10112x16xf32, #tpu.memory_space<vmem_shared>> -> memref<10112x16xf32, #tpu.memory_space<vmem_shared>>
            %dma_wait3A_224 = tpu.memref_slice %arg12[%dma_wait3A_215] : memref<4x!tpu.dma_semaphore, #tpu.memory_space<semaphore_mem>> -> memref<1x!tpu.dma_semaphore, #tpu.memory_space<semaphore_mem>>
            %dma_wait3A_225 = tpu.memref_squeeze %dma_wait3A_224 : memref<1x!tpu.dma_semaphore, #tpu.memory_space<semaphore_mem>> -> memref<!tpu.dma_semaphore, #tpu.memory_space<semaphore_mem>>
            tpu.wait_indirect_dma semaphore(%dma_wait3A_225 : memref<!tpu.dma_semaphore, #tpu.memory_space<semaphore_mem>>) src(%dma_wait3A_219 : memref<128x16xf32, #tpu.memory_space<vmem>>) dst(%dma_wait3A_223 : memref<10112x16xf32, #tpu.memory_space<vmem_shared>>)
          } else {
          }
          %add3A_198 = arith.constant 3 : i32
          %add3A_199 = arith.addi %add3A_139, %add3A_198 : i32
          %mul3A_200 = arith.constant 128 : i32
          %mul3A_201 = arith.muli %add3A_199, %mul3A_200 : i32
          %dma_start3A_202 = arith.constant 3 : i32
          %dma_start3A_203 = arith.constant 3 : i32
          %dma_start3A_204 = arith.constant 0 : i32
          %dma_start3A_205 = arith.constant 0 : i32
          %dma_start3A_206 = tpu.memref_slice %arg8[%dma_start3A_202, %dma_start3A_204, %dma_start3A_205] : memref<4x128x16xf32, #tpu.memory_space<vmem>> -> memref<1x128x16xf32, #tpu.memory_space<vmem>>
          %dma_start3A_207 = tpu.memref_squeeze %dma_start3A_206 : memref<1x128x16xf32, #tpu.memory_space<vmem>> -> memref<128x16xf32, #tpu.memory_space<vmem>>
          %dma_start3A_208 = tpu.memref_slice %arg6[%mul3A_201] : memref<10112xi32, #tpu.memory_space<vmem>> -> memref<128xi32, #tpu.memory_space<vmem>>
          %dma_start3A_209 = arith.constant 0 : i32
          %dma_start3A_210 = arith.constant 0 : i32
          %dma_start3A_211 = tpu.memref_slice %arg10[%dma_start3A_209, %dma_start3A_210] : memref<10112x16xf32, #tpu.memory_space<vmem_shared>> -> memref<10112x16xf32, #tpu.memory_space<vmem_shared>>
          %dma_start3A_212 = tpu.memref_slice %arg11[%dma_start3A_203] : memref<4x!tpu.dma_semaphore, #tpu.memory_space<semaphore_mem>> -> memref<1x!tpu.dma_semaphore, #tpu.memory_space<semaphore_mem>>
          %dma_start3A_213 = tpu.memref_squeeze %dma_start3A_212 : memref<1x!tpu.dma_semaphore, #tpu.memory_space<semaphore_mem>> -> memref<!tpu.dma_semaphore, #tpu.memory_space<semaphore_mem>>
          tpu.enqueue_indirect_dma source(%dma_start3A_211 : memref<10112x16xf32, #tpu.memory_space<vmem_shared>>) target(%dma_start3A_207 : memref<128x16xf32, #tpu.memory_space<vmem>>) offsets(%dma_start3A_208 : memref<128xi32, #tpu.memory_space<vmem>>) semaphore(%dma_start3A_213 : memref<!tpu.dma_semaphore, #tpu.memory_space<semaphore_mem>>)
        } else {
        }
      } else {
      }
      %add3A_142 = arith.constant 1 : i32
      %add3A_143 = arith.addi %add3A_137, %add3A_142 : i32
      %lt3A_144 = arith.cmpi slt, %add3A_143, %select_n3A : i32
      %convert_element_type3A_145 = arith.extui %lt3A_144 : i1 to i32
      %cond3A_146 = arith.constant 0 : i32
      %cond3A_147 = arith.cmpi ne, %convert_element_type3A_145, %cond3A_146 : i32
      scf.if %cond3A_147 {
        %mul3A_160 = arith.constant 128 : i32
        %mul3A_161 = arith.muli %add3A_143, %mul3A_160 : i32
        %mul3A_162 = arith.constant 128 : i32
        %mul3A_163 = arith.muli %add3A_143, %mul3A_162 : i32
        %dma_wait3A_164 = arith.constant 1 : i32
        %dma_wait3A_165 = arith.constant 1 : i32
        %dma_wait3A_166 = arith.constant 0 : i32
        %dma_wait3A_167 = arith.constant 0 : i32
        %dma_wait3A_168 = tpu.memref_slice %arg8[%dma_wait3A_164, %dma_wait3A_166, %dma_wait3A_167] : memref<4x128x16xf32, #tpu.memory_space<vmem>> -> memref<1x128x16xf32, #tpu.memory_space<vmem>>
        %dma_wait3A_169 = tpu.memref_squeeze %dma_wait3A_168 : memref<1x128x16xf32, #tpu.memory_space<vmem>> -> memref<128x16xf32, #tpu.memory_space<vmem>>
        %dma_wait3A_170 = tpu.memref_slice %arg6[%mul3A_163] : memref<10112xi32, #tpu.memory_space<vmem>> -> memref<128xi32, #tpu.memory_space<vmem>>
        %dma_wait3A_171 = arith.constant 0 : i32
        %dma_wait3A_172 = arith.constant 0 : i32
        %dma_wait3A_173 = tpu.memref_slice %arg10[%dma_wait3A_171, %dma_wait3A_172] : memref<10112x16xf32, #tpu.memory_space<vmem_shared>> -> memref<10112x16xf32, #tpu.memory_space<vmem_shared>>
        %dma_wait3A_174 = tpu.memref_slice %arg11[%dma_wait3A_165] : memref<4x!tpu.dma_semaphore, #tpu.memory_space<semaphore_mem>> -> memref<1x!tpu.dma_semaphore, #tpu.memory_space<semaphore_mem>>
        %dma_wait3A_175 = tpu.memref_squeeze %dma_wait3A_174 : memref<1x!tpu.dma_semaphore, #tpu.memory_space<semaphore_mem>> -> memref<!tpu.dma_semaphore, #tpu.memory_space<semaphore_mem>>
        tpu.wait_indirect_dma semaphore(%dma_wait3A_175 : memref<!tpu.dma_semaphore, #tpu.memory_space<semaphore_mem>>) src(%dma_wait3A_173 : memref<10112x16xf32, #tpu.memory_space<vmem_shared>>) dst(%dma_wait3A_169 : memref<128x16xf32, #tpu.memory_space<vmem>>)
        %dma_start3A_176 = arith.constant 1 : i32
        %dma_start3A_177 = arith.constant 1 : i32
        %dma_start3A_178 = arith.constant 0 : i32
        %dma_start3A_179 = arith.constant 0 : i32
        %dma_start3A_180 = tpu.memref_slice %arg8[%dma_start3A_176, %dma_start3A_178, %dma_start3A_179] : memref<4x128x16xf32, #tpu.memory_space<vmem>> -> memref<1x128x16xf32, #tpu.memory_space<vmem>>
        %dma_start3A_181 = tpu.memref_squeeze %dma_start3A_180 : memref<1x128x16xf32, #tpu.memory_space<vmem>> -> memref<128x16xf32, #tpu.memory_space<vmem>>
        %dma_start3A_182 = tpu.memref_slice %arg7[%mul3A_161] : memref<10112xi32, #tpu.memory_space<vmem>> -> memref<128xi32, #tpu.memory_space<vmem>>
        %dma_start3A_183 = arith.constant 0 : i32
        %dma_start3A_184 = arith.constant 0 : i32
        %dma_start3A_185 = tpu.memref_slice %arg9[%dma_start3A_183, %dma_start3A_184] : memref<10112x16xf32, #tpu.memory_space<vmem_shared>> -> memref<10112x16xf32, #tpu.memory_space<vmem_shared>>
        %dma_start3A_186 = tpu.memref_slice %arg12[%dma_start3A_177] : memref<4x!tpu.dma_semaphore, #tpu.memory_space<semaphore_mem>> -> memref<1x!tpu.dma_semaphore, #tpu.memory_space<semaphore_mem>>
        %dma_start3A_187 = tpu.memref_squeeze %dma_start3A_186 : memref<1x!tpu.dma_semaphore, #tpu.memory_space<semaphore_mem>> -> memref<!tpu.dma_semaphore, #tpu.memory_space<semaphore_mem>>
        tpu.enqueue_indirect_dma source(%dma_start3A_181 : memref<128x16xf32, #tpu.memory_space<vmem>>) target(%dma_start3A_185 : memref<10112x16xf32, #tpu.memory_space<vmem_shared>>) offsets(%dma_start3A_182 : memref<128xi32, #tpu.memory_space<vmem>>) semaphore(%dma_start3A_187 : memref<!tpu.dma_semaphore, #tpu.memory_space<semaphore_mem>>) {add = true}
        %add3A_188 = arith.constant 3 : i32
        %add3A_189 = arith.addi %add3A_143, %add3A_188 : i32
        %lt3A_190 = arith.cmpi slt, %add3A_189, %select_n3A : i32
        %convert_element_type3A_191 = arith.extui %lt3A_190 : i1 to i32
        %cond3A_192 = arith.constant 0 : i32
        %cond3A_193 = arith.cmpi ne, %convert_element_type3A_191, %cond3A_192 : i32
        scf.if %cond3A_193 {
          %ge3A = arith.constant 1 : i32
          %ge3A_194 = arith.cmpi sge, %add3A_143, %ge3A : i32
          %convert_element_type3A_195 = arith.extui %ge3A_194 : i1 to i32
          %cond3A_196 = arith.constant 0 : i32
          %cond3A_197 = arith.cmpi ne, %convert_element_type3A_195, %cond3A_196 : i32
          scf.if %cond3A_197 {
            %dma_wait3A_214 = arith.constant 0 : i32
            %dma_wait3A_215 = arith.constant 0 : i32
            %dma_wait3A_216 = arith.constant 0 : i32
            %dma_wait3A_217 = arith.constant 0 : i32
            %dma_wait3A_218 = tpu.memref_slice %arg8[%dma_wait3A_214, %dma_wait3A_216, %dma_wait3A_217] : memref<4x128x16xf32, #tpu.memory_space<vmem>> -> memref<1x128x16xf32, #tpu.memory_space<vmem>>
            %dma_wait3A_219 = tpu.memref_squeeze %dma_wait3A_218 : memref<1x128x16xf32, #tpu.memory_space<vmem>> -> memref<128x16xf32, #tpu.memory_space<vmem>>
            %dma_wait3A_220 = tpu.memref_slice %arg7[%mul3A_161] : memref<10112xi32, #tpu.memory_space<vmem>> -> memref<128xi32, #tpu.memory_space<vmem>>
            %dma_wait3A_221 = arith.constant 0 : i32
            %dma_wait3A_222 = arith.constant 0 : i32
            %dma_wait3A_223 = tpu.memref_slice %arg9[%dma_wait3A_221, %dma_wait3A_222] : memref<10112x16xf32, #tpu.memory_space<vmem_shared>> -> memref<10112x16xf32, #tpu.memory_space<vmem_shared>>
            %dma_wait3A_224 = tpu.memref_slice %arg12[%dma_wait3A_215] : memref<4x!tpu.dma_semaphore, #tpu.memory_space<semaphore_mem>> -> memref<1x!tpu.dma_semaphore, #tpu.memory_space<semaphore_mem>>
            %dma_wait3A_225 = tpu.memref_squeeze %dma_wait3A_224 : memref<1x!tpu.dma_semaphore, #tpu.memory_space<semaphore_mem>> -> memref<!tpu.dma_semaphore, #tpu.memory_space<semaphore_mem>>
            tpu.wait_indirect_dma semaphore(%dma_wait3A_225 : memref<!tpu.dma_semaphore, #tpu.memory_space<semaphore_mem>>) src(%dma_wait3A_219 : memref<128x16xf32, #tpu.memory_space<vmem>>) dst(%dma_wait3A_223 : memref<10112x16xf32, #tpu.memory_space<vmem_shared>>)
          } else {
          }
          %add3A_198 = arith.constant 3 : i32
          %add3A_199 = arith.addi %add3A_143, %add3A_198 : i32
          %mul3A_200 = arith.constant 128 : i32
          %mul3A_201 = arith.muli %add3A_199, %mul3A_200 : i32
          %dma_start3A_202 = arith.constant 0 : i32
          %dma_start3A_203 = arith.constant 0 : i32
          %dma_start3A_204 = arith.constant 0 : i32
          %dma_start3A_205 = arith.constant 0 : i32
          %dma_start3A_206 = tpu.memref_slice %arg8[%dma_start3A_202, %dma_start3A_204, %dma_start3A_205] : memref<4x128x16xf32, #tpu.memory_space<vmem>> -> memref<1x128x16xf32, #tpu.memory_space<vmem>>
          %dma_start3A_207 = tpu.memref_squeeze %dma_start3A_206 : memref<1x128x16xf32, #tpu.memory_space<vmem>> -> memref<128x16xf32, #tpu.memory_space<vmem>>
          %dma_start3A_208 = tpu.memref_slice %arg6[%mul3A_201] : memref<10112xi32, #tpu.memory_space<vmem>> -> memref<128xi32, #tpu.memory_space<vmem>>
          %dma_start3A_209 = arith.constant 0 : i32
          %dma_start3A_210 = arith.constant 0 : i32
          %dma_start3A_211 = tpu.memref_slice %arg10[%dma_start3A_209, %dma_start3A_210] : memref<10112x16xf32, #tpu.memory_space<vmem_shared>> -> memref<10112x16xf32, #tpu.memory_space<vmem_shared>>
          %dma_start3A_212 = tpu.memref_slice %arg11[%dma_start3A_203] : memref<4x!tpu.dma_semaphore, #tpu.memory_space<semaphore_mem>> -> memref<1x!tpu.dma_semaphore, #tpu.memory_space<semaphore_mem>>
          %dma_start3A_213 = tpu.memref_squeeze %dma_start3A_212 : memref<1x!tpu.dma_semaphore, #tpu.memory_space<semaphore_mem>> -> memref<!tpu.dma_semaphore, #tpu.memory_space<semaphore_mem>>
          tpu.enqueue_indirect_dma source(%dma_start3A_211 : memref<10112x16xf32, #tpu.memory_space<vmem_shared>>) target(%dma_start3A_207 : memref<128x16xf32, #tpu.memory_space<vmem>>) offsets(%dma_start3A_208 : memref<128xi32, #tpu.memory_space<vmem>>) semaphore(%dma_start3A_213 : memref<!tpu.dma_semaphore, #tpu.memory_space<semaphore_mem>>)
        } else {
        }
      } else {
      }
      %add3A_148 = arith.constant 2 : i32
      %add3A_149 = arith.addi %add3A_137, %add3A_148 : i32
      %lt3A_150 = arith.cmpi slt, %add3A_149, %select_n3A : i32
      %convert_element_type3A_151 = arith.extui %lt3A_150 : i1 to i32
      %cond3A_152 = arith.constant 0 : i32
      %cond3A_153 = arith.cmpi ne, %convert_element_type3A_151, %cond3A_152 : i32
      scf.if %cond3A_153 {
        %mul3A_160 = arith.constant 128 : i32
        %mul3A_161 = arith.muli %add3A_149, %mul3A_160 : i32
        %mul3A_162 = arith.constant 128 : i32
        %mul3A_163 = arith.muli %add3A_149, %mul3A_162 : i32
        %dma_wait3A_164 = arith.constant 2 : i32
        %dma_wait3A_165 = arith.constant 2 : i32
        %dma_wait3A_166 = arith.constant 0 : i32
        %dma_wait3A_167 = arith.constant 0 : i32
        %dma_wait3A_168 = tpu.memref_slice %arg8[%dma_wait3A_164, %dma_wait3A_166, %dma_wait3A_167] : memref<4x128x16xf32, #tpu.memory_space<vmem>> -> memref<1x128x16xf32, #tpu.memory_space<vmem>>
        %dma_wait3A_169 = tpu.memref_squeeze %dma_wait3A_168 : memref<1x128x16xf32, #tpu.memory_space<vmem>> -> memref<128x16xf32, #tpu.memory_space<vmem>>
        %dma_wait3A_170 = tpu.memref_slice %arg6[%mul3A_163] : memref<10112xi32, #tpu.memory_space<vmem>> -> memref<128xi32, #tpu.memory_space<vmem>>
        %dma_wait3A_171 = arith.constant 0 : i32
        %dma_wait3A_172 = arith.constant 0 : i32
        %dma_wait3A_173 = tpu.memref_slice %arg10[%dma_wait3A_171, %dma_wait3A_172] : memref<10112x16xf32, #tpu.memory_space<vmem_shared>> -> memref<10112x16xf32, #tpu.memory_space<vmem_shared>>
        %dma_wait3A_174 = tpu.memref_slice %arg11[%dma_wait3A_165] : memref<4x!tpu.dma_semaphore, #tpu.memory_space<semaphore_mem>> -> memref<1x!tpu.dma_semaphore, #tpu.memory_space<semaphore_mem>>
        %dma_wait3A_175 = tpu.memref_squeeze %dma_wait3A_174 : memref<1x!tpu.dma_semaphore, #tpu.memory_space<semaphore_mem>> -> memref<!tpu.dma_semaphore, #tpu.memory_space<semaphore_mem>>
        tpu.wait_indirect_dma semaphore(%dma_wait3A_175 : memref<!tpu.dma_semaphore, #tpu.memory_space<semaphore_mem>>) src(%dma_wait3A_173 : memref<10112x16xf32, #tpu.memory_space<vmem_shared>>) dst(%dma_wait3A_169 : memref<128x16xf32, #tpu.memory_space<vmem>>)
        %dma_start3A_176 = arith.constant 2 : i32
        %dma_start3A_177 = arith.constant 2 : i32
        %dma_start3A_178 = arith.constant 0 : i32
        %dma_start3A_179 = arith.constant 0 : i32
        %dma_start3A_180 = tpu.memref_slice %arg8[%dma_start3A_176, %dma_start3A_178, %dma_start3A_179] : memref<4x128x16xf32, #tpu.memory_space<vmem>> -> memref<1x128x16xf32, #tpu.memory_space<vmem>>
        %dma_start3A_181 = tpu.memref_squeeze %dma_start3A_180 : memref<1x128x16xf32, #tpu.memory_space<vmem>> -> memref<128x16xf32, #tpu.memory_space<vmem>>
        %dma_start3A_182 = tpu.memref_slice %arg7[%mul3A_161] : memref<10112xi32, #tpu.memory_space<vmem>> -> memref<128xi32, #tpu.memory_space<vmem>>
        %dma_start3A_183 = arith.constant 0 : i32
        %dma_start3A_184 = arith.constant 0 : i32
        %dma_start3A_185 = tpu.memref_slice %arg9[%dma_start3A_183, %dma_start3A_184] : memref<10112x16xf32, #tpu.memory_space<vmem_shared>> -> memref<10112x16xf32, #tpu.memory_space<vmem_shared>>
        %dma_start3A_186 = tpu.memref_slice %arg12[%dma_start3A_177] : memref<4x!tpu.dma_semaphore, #tpu.memory_space<semaphore_mem>> -> memref<1x!tpu.dma_semaphore, #tpu.memory_space<semaphore_mem>>
        %dma_start3A_187 = tpu.memref_squeeze %dma_start3A_186 : memref<1x!tpu.dma_semaphore, #tpu.memory_space<semaphore_mem>> -> memref<!tpu.dma_semaphore, #tpu.memory_space<semaphore_mem>>
        tpu.enqueue_indirect_dma source(%dma_start3A_181 : memref<128x16xf32, #tpu.memory_space<vmem>>) target(%dma_start3A_185 : memref<10112x16xf32, #tpu.memory_space<vmem_shared>>) offsets(%dma_start3A_182 : memref<128xi32, #tpu.memory_space<vmem>>) semaphore(%dma_start3A_187 : memref<!tpu.dma_semaphore, #tpu.memory_space<semaphore_mem>>) {add = true}
        %add3A_188 = arith.constant 3 : i32
        %add3A_189 = arith.addi %add3A_149, %add3A_188 : i32
        %lt3A_190 = arith.cmpi slt, %add3A_189, %select_n3A : i32
        %convert_element_type3A_191 = arith.extui %lt3A_190 : i1 to i32
        %cond3A_192 = arith.constant 0 : i32
        %cond3A_193 = arith.cmpi ne, %convert_element_type3A_191, %cond3A_192 : i32
        scf.if %cond3A_193 {
          %ge3A = arith.constant 1 : i32
          %ge3A_194 = arith.cmpi sge, %add3A_149, %ge3A : i32
          %convert_element_type3A_195 = arith.extui %ge3A_194 : i1 to i32
          %cond3A_196 = arith.constant 0 : i32
          %cond3A_197 = arith.cmpi ne, %convert_element_type3A_195, %cond3A_196 : i32
          scf.if %cond3A_197 {
            %dma_wait3A_214 = arith.constant 1 : i32
            %dma_wait3A_215 = arith.constant 1 : i32
            %dma_wait3A_216 = arith.constant 0 : i32
            %dma_wait3A_217 = arith.constant 0 : i32
            %dma_wait3A_218 = tpu.memref_slice %arg8[%dma_wait3A_214, %dma_wait3A_216, %dma_wait3A_217] : memref<4x128x16xf32, #tpu.memory_space<vmem>> -> memref<1x128x16xf32, #tpu.memory_space<vmem>>
            %dma_wait3A_219 = tpu.memref_squeeze %dma_wait3A_218 : memref<1x128x16xf32, #tpu.memory_space<vmem>> -> memref<128x16xf32, #tpu.memory_space<vmem>>
            %dma_wait3A_220 = tpu.memref_slice %arg7[%mul3A_161] : memref<10112xi32, #tpu.memory_space<vmem>> -> memref<128xi32, #tpu.memory_space<vmem>>
            %dma_wait3A_221 = arith.constant 0 : i32
            %dma_wait3A_222 = arith.constant 0 : i32
            %dma_wait3A_223 = tpu.memref_slice %arg9[%dma_wait3A_221, %dma_wait3A_222] : memref<10112x16xf32, #tpu.memory_space<vmem_shared>> -> memref<10112x16xf32, #tpu.memory_space<vmem_shared>>
            %dma_wait3A_224 = tpu.memref_slice %arg12[%dma_wait3A_215] : memref<4x!tpu.dma_semaphore, #tpu.memory_space<semaphore_mem>> -> memref<1x!tpu.dma_semaphore, #tpu.memory_space<semaphore_mem>>
            %dma_wait3A_225 = tpu.memref_squeeze %dma_wait3A_224 : memref<1x!tpu.dma_semaphore, #tpu.memory_space<semaphore_mem>> -> memref<!tpu.dma_semaphore, #tpu.memory_space<semaphore_mem>>
            tpu.wait_indirect_dma semaphore(%dma_wait3A_225 : memref<!tpu.dma_semaphore, #tpu.memory_space<semaphore_mem>>) src(%dma_wait3A_219 : memref<128x16xf32, #tpu.memory_space<vmem>>) dst(%dma_wait3A_223 : memref<10112x16xf32, #tpu.memory_space<vmem_shared>>)
          } else {
          }
          %add3A_198 = arith.constant 3 : i32
          %add3A_199 = arith.addi %add3A_149, %add3A_198 : i32
          %mul3A_200 = arith.constant 128 : i32
          %mul3A_201 = arith.muli %add3A_199, %mul3A_200 : i32
          %dma_start3A_202 = arith.constant 1 : i32
          %dma_start3A_203 = arith.constant 1 : i32
          %dma_start3A_204 = arith.constant 0 : i32
          %dma_start3A_205 = arith.constant 0 : i32
          %dma_start3A_206 = tpu.memref_slice %arg8[%dma_start3A_202, %dma_start3A_204, %dma_start3A_205] : memref<4x128x16xf32, #tpu.memory_space<vmem>> -> memref<1x128x16xf32, #tpu.memory_space<vmem>>
          %dma_start3A_207 = tpu.memref_squeeze %dma_start3A_206 : memref<1x128x16xf32, #tpu.memory_space<vmem>> -> memref<128x16xf32, #tpu.memory_space<vmem>>
          %dma_start3A_208 = tpu.memref_slice %arg6[%mul3A_201] : memref<10112xi32, #tpu.memory_space<vmem>> -> memref<128xi32, #tpu.memory_space<vmem>>
          %dma_start3A_209 = arith.constant 0 : i32
          %dma_start3A_210 = arith.constant 0 : i32
          %dma_start3A_211 = tpu.memref_slice %arg10[%dma_start3A_209, %dma_start3A_210] : memref<10112x16xf32, #tpu.memory_space<vmem_shared>> -> memref<10112x16xf32, #tpu.memory_space<vmem_shared>>
          %dma_start3A_212 = tpu.memref_slice %arg11[%dma_start3A_203] : memref<4x!tpu.dma_semaphore, #tpu.memory_space<semaphore_mem>> -> memref<1x!tpu.dma_semaphore, #tpu.memory_space<semaphore_mem>>
          %dma_start3A_213 = tpu.memref_squeeze %dma_start3A_212 : memref<1x!tpu.dma_semaphore, #tpu.memory_space<semaphore_mem>> -> memref<!tpu.dma_semaphore, #tpu.memory_space<semaphore_mem>>
          tpu.enqueue_indirect_dma source(%dma_start3A_211 : memref<10112x16xf32, #tpu.memory_space<vmem_shared>>) target(%dma_start3A_207 : memref<128x16xf32, #tpu.memory_space<vmem>>) offsets(%dma_start3A_208 : memref<128xi32, #tpu.memory_space<vmem>>) semaphore(%dma_start3A_213 : memref<!tpu.dma_semaphore, #tpu.memory_space<semaphore_mem>>)
        } else {
        }
      } else {
      }
      %add3A_154 = arith.constant 3 : i32
      %add3A_155 = arith.addi %add3A_137, %add3A_154 : i32
      %lt3A_156 = arith.cmpi slt, %add3A_155, %select_n3A : i32
      %convert_element_type3A_157 = arith.extui %lt3A_156 : i1 to i32
      %cond3A_158 = arith.constant 0 : i32
      %cond3A_159 = arith.cmpi ne, %convert_element_type3A_157, %cond3A_158 : i32
      scf.if %cond3A_159 {
        %mul3A_160 = arith.constant 128 : i32
        %mul3A_161 = arith.muli %add3A_155, %mul3A_160 : i32
        %mul3A_162 = arith.constant 128 : i32
        %mul3A_163 = arith.muli %add3A_155, %mul3A_162 : i32
        %dma_wait3A_164 = arith.constant 3 : i32
        %dma_wait3A_165 = arith.constant 3 : i32
        %dma_wait3A_166 = arith.constant 0 : i32
        %dma_wait3A_167 = arith.constant 0 : i32
        %dma_wait3A_168 = tpu.memref_slice %arg8[%dma_wait3A_164, %dma_wait3A_166, %dma_wait3A_167] : memref<4x128x16xf32, #tpu.memory_space<vmem>> -> memref<1x128x16xf32, #tpu.memory_space<vmem>>
        %dma_wait3A_169 = tpu.memref_squeeze %dma_wait3A_168 : memref<1x128x16xf32, #tpu.memory_space<vmem>> -> memref<128x16xf32, #tpu.memory_space<vmem>>
        %dma_wait3A_170 = tpu.memref_slice %arg6[%mul3A_163] : memref<10112xi32, #tpu.memory_space<vmem>> -> memref<128xi32, #tpu.memory_space<vmem>>
        %dma_wait3A_171 = arith.constant 0 : i32
        %dma_wait3A_172 = arith.constant 0 : i32
        %dma_wait3A_173 = tpu.memref_slice %arg10[%dma_wait3A_171, %dma_wait3A_172] : memref<10112x16xf32, #tpu.memory_space<vmem_shared>> -> memref<10112x16xf32, #tpu.memory_space<vmem_shared>>
        %dma_wait3A_174 = tpu.memref_slice %arg11[%dma_wait3A_165] : memref<4x!tpu.dma_semaphore, #tpu.memory_space<semaphore_mem>> -> memref<1x!tpu.dma_semaphore, #tpu.memory_space<semaphore_mem>>
        %dma_wait3A_175 = tpu.memref_squeeze %dma_wait3A_174 : memref<1x!tpu.dma_semaphore, #tpu.memory_space<semaphore_mem>> -> memref<!tpu.dma_semaphore, #tpu.memory_space<semaphore_mem>>
        tpu.wait_indirect_dma semaphore(%dma_wait3A_175 : memref<!tpu.dma_semaphore, #tpu.memory_space<semaphore_mem>>) src(%dma_wait3A_173 : memref<10112x16xf32, #tpu.memory_space<vmem_shared>>) dst(%dma_wait3A_169 : memref<128x16xf32, #tpu.memory_space<vmem>>)
        %dma_start3A_176 = arith.constant 3 : i32
        %dma_start3A_177 = arith.constant 3 : i32
        %dma_start3A_178 = arith.constant 0 : i32
        %dma_start3A_179 = arith.constant 0 : i32
        %dma_start3A_180 = tpu.memref_slice %arg8[%dma_start3A_176, %dma_start3A_178, %dma_start3A_179] : memref<4x128x16xf32, #tpu.memory_space<vmem>> -> memref<1x128x16xf32, #tpu.memory_space<vmem>>
        %dma_start3A_181 = tpu.memref_squeeze %dma_start3A_180 : memref<1x128x16xf32, #tpu.memory_space<vmem>> -> memref<128x16xf32, #tpu.memory_space<vmem>>
        %dma_start3A_182 = tpu.memref_slice %arg7[%mul3A_161] : memref<10112xi32, #tpu.memory_space<vmem>> -> memref<128xi32, #tpu.memory_space<vmem>>
        %dma_start3A_183 = arith.constant 0 : i32
        %dma_start3A_184 = arith.constant 0 : i32
        %dma_start3A_185 = tpu.memref_slice %arg9[%dma_start3A_183, %dma_start3A_184] : memref<10112x16xf32, #tpu.memory_space<vmem_shared>> -> memref<10112x16xf32, #tpu.memory_space<vmem_shared>>
        %dma_start3A_186 = tpu.memref_slice %arg12[%dma_start3A_177] : memref<4x!tpu.dma_semaphore, #tpu.memory_space<semaphore_mem>> -> memref<1x!tpu.dma_semaphore, #tpu.memory_space<semaphore_mem>>
        %dma_start3A_187 = tpu.memref_squeeze %dma_start3A_186 : memref<1x!tpu.dma_semaphore, #tpu.memory_space<semaphore_mem>> -> memref<!tpu.dma_semaphore, #tpu.memory_space<semaphore_mem>>
        tpu.enqueue_indirect_dma source(%dma_start3A_181 : memref<128x16xf32, #tpu.memory_space<vmem>>) target(%dma_start3A_185 : memref<10112x16xf32, #tpu.memory_space<vmem_shared>>) offsets(%dma_start3A_182 : memref<128xi32, #tpu.memory_space<vmem>>) semaphore(%dma_start3A_187 : memref<!tpu.dma_semaphore, #tpu.memory_space<semaphore_mem>>) {add = true}
        %add3A_188 = arith.constant 3 : i32
        %add3A_189 = arith.addi %add3A_155, %add3A_188 : i32
        %lt3A_190 = arith.cmpi slt, %add3A_189, %select_n3A : i32
        %convert_element_type3A_191 = arith.extui %lt3A_190 : i1 to i32
        %cond3A_192 = arith.constant 0 : i32
        %cond3A_193 = arith.cmpi ne, %convert_element_type3A_191, %cond3A_192 : i32
        scf.if %cond3A_193 {
          %ge3A = arith.constant 1 : i32
          %ge3A_194 = arith.cmpi sge, %add3A_155, %ge3A : i32
          %convert_element_type3A_195 = arith.extui %ge3A_194 : i1 to i32
          %cond3A_196 = arith.constant 0 : i32
          %cond3A_197 = arith.cmpi ne, %convert_element_type3A_195, %cond3A_196 : i32
          scf.if %cond3A_197 {
            %dma_wait3A_214 = arith.constant 2 : i32
            %dma_wait3A_215 = arith.constant 2 : i32
            %dma_wait3A_216 = arith.constant 0 : i32
            %dma_wait3A_217 = arith.constant 0 : i32
            %dma_wait3A_218 = tpu.memref_slice %arg8[%dma_wait3A_214, %dma_wait3A_216, %dma_wait3A_217] : memref<4x128x16xf32, #tpu.memory_space<vmem>> -> memref<1x128x16xf32, #tpu.memory_space<vmem>>
            %dma_wait3A_219 = tpu.memref_squeeze %dma_wait3A_218 : memref<1x128x16xf32, #tpu.memory_space<vmem>> -> memref<128x16xf32, #tpu.memory_space<vmem>>
            %dma_wait3A_220 = tpu.memref_slice %arg7[%mul3A_161] : memref<10112xi32, #tpu.memory_space<vmem>> -> memref<128xi32, #tpu.memory_space<vmem>>
            %dma_wait3A_221 = arith.constant 0 : i32
            %dma_wait3A_222 = arith.constant 0 : i32
            %dma_wait3A_223 = tpu.memref_slice %arg9[%dma_wait3A_221, %dma_wait3A_222] : memref<10112x16xf32, #tpu.memory_space<vmem_shared>> -> memref<10112x16xf32, #tpu.memory_space<vmem_shared>>
            %dma_wait3A_224 = tpu.memref_slice %arg12[%dma_wait3A_215] : memref<4x!tpu.dma_semaphore, #tpu.memory_space<semaphore_mem>> -> memref<1x!tpu.dma_semaphore, #tpu.memory_space<semaphore_mem>>
            %dma_wait3A_225 = tpu.memref_squeeze %dma_wait3A_224 : memref<1x!tpu.dma_semaphore, #tpu.memory_space<semaphore_mem>> -> memref<!tpu.dma_semaphore, #tpu.memory_space<semaphore_mem>>
            tpu.wait_indirect_dma semaphore(%dma_wait3A_225 : memref<!tpu.dma_semaphore, #tpu.memory_space<semaphore_mem>>) src(%dma_wait3A_219 : memref<128x16xf32, #tpu.memory_space<vmem>>) dst(%dma_wait3A_223 : memref<10112x16xf32, #tpu.memory_space<vmem_shared>>)
          } else {
          }
          %add3A_198 = arith.constant 3 : i32
          %add3A_199 = arith.addi %add3A_155, %add3A_198 : i32
          %mul3A_200 = arith.constant 128 : i32
          %mul3A_201 = arith.muli %add3A_199, %mul3A_200 : i32
          %dma_start3A_202 = arith.constant 2 : i32
          %dma_start3A_203 = arith.constant 2 : i32
          %dma_start3A_204 = arith.constant 0 : i32
          %dma_start3A_205 = arith.constant 0 : i32
          %dma_start3A_206 = tpu.memref_slice %arg8[%dma_start3A_202, %dma_start3A_204, %dma_start3A_205] : memref<4x128x16xf32, #tpu.memory_space<vmem>> -> memref<1x128x16xf32, #tpu.memory_space<vmem>>
          %dma_start3A_207 = tpu.memref_squeeze %dma_start3A_206 : memref<1x128x16xf32, #tpu.memory_space<vmem>> -> memref<128x16xf32, #tpu.memory_space<vmem>>
          %dma_start3A_208 = tpu.memref_slice %arg6[%mul3A_201] : memref<10112xi32, #tpu.memory_space<vmem>> -> memref<128xi32, #tpu.memory_space<vmem>>
          %dma_start3A_209 = arith.constant 0 : i32
          %dma_start3A_210 = arith.constant 0 : i32
          %dma_start3A_211 = tpu.memref_slice %arg10[%dma_start3A_209, %dma_start3A_210] : memref<10112x16xf32, #tpu.memory_space<vmem_shared>> -> memref<10112x16xf32, #tpu.memory_space<vmem_shared>>
          %dma_start3A_212 = tpu.memref_slice %arg11[%dma_start3A_203] : memref<4x!tpu.dma_semaphore, #tpu.memory_space<semaphore_mem>> -> memref<1x!tpu.dma_semaphore, #tpu.memory_space<semaphore_mem>>
          %dma_start3A_213 = tpu.memref_squeeze %dma_start3A_212 : memref<1x!tpu.dma_semaphore, #tpu.memory_space<semaphore_mem>> -> memref<!tpu.dma_semaphore, #tpu.memory_space<semaphore_mem>>
          tpu.enqueue_indirect_dma source(%dma_start3A_211 : memref<10112x16xf32, #tpu.memory_space<vmem_shared>>) target(%dma_start3A_207 : memref<128x16xf32, #tpu.memory_space<vmem>>) offsets(%dma_start3A_208 : memref<128xi32, #tpu.memory_space<vmem>>) semaphore(%dma_start3A_213 : memref<!tpu.dma_semaphore, #tpu.memory_space<semaphore_mem>>)
        } else {
        }
      } else {
      }
    }
    %scan3A_76 = arith.constant 20 : i32
    %dma_wait3A = arith.constant 0 : i32
    %dma_wait3A_77 = arith.constant 0 : i32
    %dma_wait3A_78 = arith.constant 0 : i32
    %dma_wait3A_79 = arith.constant 0 : i32
    %dma_wait3A_80 = tpu.memref_slice %arg8[%dma_wait3A, %dma_wait3A_78, %dma_wait3A_79] : memref<4x128x16xf32, #tpu.memory_space<vmem>> -> memref<1x128x16xf32, #tpu.memory_space<vmem>>
    %dma_wait3A_81 = tpu.memref_squeeze %dma_wait3A_80 : memref<1x128x16xf32, #tpu.memory_space<vmem>> -> memref<128x16xf32, #tpu.memory_space<vmem>>
    %dma_wait3A_82 = arith.constant 0 : i32
    %dma_wait3A_83 = tpu.memref_slice %arg7[%dma_wait3A_82] : memref<10112xi32, #tpu.memory_space<vmem>> -> memref<128xi32, #tpu.memory_space<vmem>>
    %dma_wait3A_84 = arith.constant 0 : i32
    %dma_wait3A_85 = arith.constant 0 : i32
    %dma_wait3A_86 = tpu.memref_slice %arg9[%dma_wait3A_84, %dma_wait3A_85] : memref<10112x16xf32, #tpu.memory_space<vmem_shared>> -> memref<10112x16xf32, #tpu.memory_space<vmem_shared>>
    %dma_wait3A_87 = tpu.memref_slice %arg12[%dma_wait3A_77] : memref<4x!tpu.dma_semaphore, #tpu.memory_space<semaphore_mem>> -> memref<1x!tpu.dma_semaphore, #tpu.memory_space<semaphore_mem>>
    %dma_wait3A_88 = tpu.memref_squeeze %dma_wait3A_87 : memref<1x!tpu.dma_semaphore, #tpu.memory_space<semaphore_mem>> -> memref<!tpu.dma_semaphore, #tpu.memory_space<semaphore_mem>>
    tpu.wait_indirect_dma semaphore(%dma_wait3A_88 : memref<!tpu.dma_semaphore, #tpu.memory_space<semaphore_mem>>) src(%dma_wait3A_81 : memref<128x16xf32, #tpu.memory_space<vmem>>) dst(%dma_wait3A_86 : memref<10112x16xf32, #tpu.memory_space<vmem_shared>>)
    %dma_wait3A_89 = arith.constant 1 : i32
    %dma_wait3A_90 = arith.constant 1 : i32
    %dma_wait3A_91 = arith.constant 0 : i32
    %dma_wait3A_92 = arith.constant 0 : i32
    %dma_wait3A_93 = tpu.memref_slice %arg8[%dma_wait3A_89, %dma_wait3A_91, %dma_wait3A_92] : memref<4x128x16xf32, #tpu.memory_space<vmem>> -> memref<1x128x16xf32, #tpu.memory_space<vmem>>
    %dma_wait3A_94 = tpu.memref_squeeze %dma_wait3A_93 : memref<1x128x16xf32, #tpu.memory_space<vmem>> -> memref<128x16xf32, #tpu.memory_space<vmem>>
    %dma_wait3A_95 = arith.constant 0 : i32
    %dma_wait3A_96 = tpu.memref_slice %arg7[%dma_wait3A_95] : memref<10112xi32, #tpu.memory_space<vmem>> -> memref<128xi32, #tpu.memory_space<vmem>>
    %dma_wait3A_97 = arith.constant 0 : i32
    %dma_wait3A_98 = arith.constant 0 : i32
    %dma_wait3A_99 = tpu.memref_slice %arg9[%dma_wait3A_97, %dma_wait3A_98] : memref<10112x16xf32, #tpu.memory_space<vmem_shared>> -> memref<10112x16xf32, #tpu.memory_space<vmem_shared>>
    %dma_wait3A_100 = tpu.memref_slice %arg12[%dma_wait3A_90] : memref<4x!tpu.dma_semaphore, #tpu.memory_space<semaphore_mem>> -> memref<1x!tpu.dma_semaphore, #tpu.memory_space<semaphore_mem>>
    %dma_wait3A_101 = tpu.memref_squeeze %dma_wait3A_100 : memref<1x!tpu.dma_semaphore, #tpu.memory_space<semaphore_mem>> -> memref<!tpu.dma_semaphore, #tpu.memory_space<semaphore_mem>>
    tpu.wait_indirect_dma semaphore(%dma_wait3A_101 : memref<!tpu.dma_semaphore, #tpu.memory_space<semaphore_mem>>) src(%dma_wait3A_94 : memref<128x16xf32, #tpu.memory_space<vmem>>) dst(%dma_wait3A_99 : memref<10112x16xf32, #tpu.memory_space<vmem_shared>>)
    %dma_wait3A_102 = arith.constant 2 : i32
    %dma_wait3A_103 = arith.constant 2 : i32
    %dma_wait3A_104 = arith.constant 0 : i32
    %dma_wait3A_105 = arith.constant 0 : i32
    %dma_wait3A_106 = tpu.memref_slice %arg8[%dma_wait3A_102, %dma_wait3A_104, %dma_wait3A_105] : memref<4x128x16xf32, #tpu.memory_space<vmem>> -> memref<1x128x16xf32, #tpu.memory_space<vmem>>
    %dma_wait3A_107 = tpu.memref_squeeze %dma_wait3A_106 : memref<1x128x16xf32, #tpu.memory_space<vmem>> -> memref<128x16xf32, #tpu.memory_space<vmem>>
    %dma_wait3A_108 = arith.constant 0 : i32
    %dma_wait3A_109 = tpu.memref_slice %arg7[%dma_wait3A_108] : memref<10112xi32, #tpu.memory_space<vmem>> -> memref<128xi32, #tpu.memory_space<vmem>>
    %dma_wait3A_110 = arith.constant 0 : i32
    %dma_wait3A_111 = arith.constant 0 : i32
    %dma_wait3A_112 = tpu.memref_slice %arg9[%dma_wait3A_110, %dma_wait3A_111] : memref<10112x16xf32, #tpu.memory_space<vmem_shared>> -> memref<10112x16xf32, #tpu.memory_space<vmem_shared>>
    %dma_wait3A_113 = tpu.memref_slice %arg12[%dma_wait3A_103] : memref<4x!tpu.dma_semaphore, #tpu.memory_space<semaphore_mem>> -> memref<1x!tpu.dma_semaphore, #tpu.memory_space<semaphore_mem>>
    %dma_wait3A_114 = tpu.memref_squeeze %dma_wait3A_113 : memref<1x!tpu.dma_semaphore, #tpu.memory_space<semaphore_mem>> -> memref<!tpu.dma_semaphore, #tpu.memory_space<semaphore_mem>>
    tpu.wait_indirect_dma semaphore(%dma_wait3A_114 : memref<!tpu.dma_semaphore, #tpu.memory_space<semaphore_mem>>) src(%dma_wait3A_107 : memref<128x16xf32, #tpu.memory_space<vmem>>) dst(%dma_wait3A_112 : memref<10112x16xf32, #tpu.memory_space<vmem_shared>>)
    %dma_wait3A_115 = arith.constant 3 : i32
    %dma_wait3A_116 = arith.constant 3 : i32
    %dma_wait3A_117 = arith.constant 0 : i32
    %dma_wait3A_118 = arith.constant 0 : i32
    %dma_wait3A_119 = tpu.memref_slice %arg8[%dma_wait3A_115, %dma_wait3A_117, %dma_wait3A_118] : memref<4x128x16xf32, #tpu.memory_space<vmem>> -> memref<1x128x16xf32, #tpu.memory_space<vmem>>
    %dma_wait3A_120 = tpu.memref_squeeze %dma_wait3A_119 : memref<1x128x16xf32, #tpu.memory_space<vmem>> -> memref<128x16xf32, #tpu.memory_space<vmem>>
    %dma_wait3A_121 = arith.constant 0 : i32
    %dma_wait3A_122 = tpu.memref_slice %arg7[%dma_wait3A_121] : memref<10112xi32, #tpu.memory_space<vmem>> -> memref<128xi32, #tpu.memory_space<vmem>>
    %dma_wait3A_123 = arith.constant 0 : i32
    %dma_wait3A_124 = arith.constant 0 : i32
    %dma_wait3A_125 = tpu.memref_slice %arg9[%dma_wait3A_123, %dma_wait3A_124] : memref<10112x16xf32, #tpu.memory_space<vmem_shared>> -> memref<10112x16xf32, #tpu.memory_space<vmem_shared>>
    %dma_wait3A_126 = tpu.memref_slice %arg12[%dma_wait3A_116] : memref<4x!tpu.dma_semaphore, #tpu.memory_space<semaphore_mem>> -> memref<1x!tpu.dma_semaphore, #tpu.memory_space<semaphore_mem>>
    %dma_wait3A_127 = tpu.memref_squeeze %dma_wait3A_126 : memref<1x!tpu.dma_semaphore, #tpu.memory_space<semaphore_mem>> -> memref<!tpu.dma_semaphore, #tpu.memory_space<semaphore_mem>>
    tpu.wait_indirect_dma semaphore(%dma_wait3A_127 : memref<!tpu.dma_semaphore, #tpu.memory_space<semaphore_mem>>) src(%dma_wait3A_120 : memref<128x16xf32, #tpu.memory_space<vmem>>) dst(%dma_wait3A_125 : memref<10112x16xf32, #tpu.memory_space<vmem_shared>>)
    %barrier3A_128 = arith.constant 0 : index
    tpu.barrier barrier_id(%barrier3A_128)
    %mul3A_129 = arith.constant 632 : i32
    %mul3A_130 = arith.muli %arg1, %mul3A_129 : i32
    %mul3A_131 = arith.constant 632 : i32
    %mul3A_132 = arith.muli %arg1, %mul3A_131 : i32
    "tpu.region"() ({
      %run_scoped3A_133 = tpu.sem_alloc : memref<!tpu.dma_semaphore, #tpu.memory_space<semaphore_mem>>
      %dma_start3A_134 = arith.constant 0 : i32
      %dma_start3A_135 = tpu.memref_slice %arg5[%arg0, %mul3A_132, %dma_start3A_134] : memref<2x10112x16xf32, #tpu.memory_space<hbm>> -> memref<1x632x16xf32, #tpu.memory_space<hbm>>
      %dma_start3A_136 = tpu.memref_squeeze %dma_start3A_135 : memref<1x632x16xf32, #tpu.memory_space<hbm>> -> memref<632x16xf32, #tpu.memory_space<hbm>>
      %dma_start3A_137 = arith.constant 0 : i32
      %dma_start3A_138 = tpu.memref_slice %arg9[%mul3A_130, %dma_start3A_137] : memref<10112x16xf32, #tpu.memory_space<vmem_shared>> -> memref<632x16xf32, #tpu.memory_space<vmem_shared>>
      tpu.enqueue_dma source(%dma_start3A_138 : memref<632x16xf32, #tpu.memory_space<vmem_shared>>) target(%dma_start3A_136 : memref<632x16xf32, #tpu.memory_space<hbm>>) target_semaphore(%run_scoped3A_133 : memref<!tpu.dma_semaphore, #tpu.memory_space<semaphore_mem>>)
      %dma_wait3A_139 = arith.constant 0 : i32
      %dma_wait3A_140 = tpu.memref_slice %arg5[%arg0, %mul3A_132, %dma_wait3A_139] : memref<2x10112x16xf32, #tpu.memory_space<hbm>> -> memref<1x632x16xf32, #tpu.memory_space<hbm>>
      %dma_wait3A_141 = tpu.memref_squeeze %dma_wait3A_140 : memref<1x632x16xf32, #tpu.memory_space<hbm>> -> memref<632x16xf32, #tpu.memory_space<hbm>>
      %dma_wait3A_142 = arith.constant 0 : i32
      %dma_wait3A_143 = tpu.memref_slice %arg9[%mul3A_130, %dma_wait3A_142] : memref<10112x16xf32, #tpu.memory_space<vmem_shared>> -> memref<632x16xf32, #tpu.memory_space<vmem_shared>>
      tpu.wait_dma2 semaphore(%run_scoped3A_133 : memref<!tpu.dma_semaphore, #tpu.memory_space<semaphore_mem>>) src(%dma_wait3A_143 : memref<632x16xf32, #tpu.memory_space<vmem_shared>>) dst(%dma_wait3A_141 : memref<632x16xf32, #tpu.memory_space<hbm>>)
      tpu.yield
    }) : () -> ()
    return
  }
}

module attributes {stable_mosaic.version = 14 : i64} {
  func.func @_matmul1_body(%arg0: memref<10000x128xf32, #tpu.memory_space<vmem>>, %arg1: memref<128x16xf32, #tpu.memory_space<vmem>>, %arg2: memref<10112x16xf32, #tpu.memory_space<vmem>>) attributes {dimension_semantics = [], scalar_prefetch = 0 : i64, scratch_operands = 0 : i64, tpu.core_type = #tpu.core_type<tc>} {
    %get3A = arith.constant 0 : index
    %get3A_0 = arith.constant 0 : index
    %get3A_1 = vector.load %arg0[%get3A, %get3A_0] : memref<10000x128xf32, #tpu.memory_space<vmem>>, vector<10000x128xf32>
    %get3A_2 = arith.constant 0 : index
    %get3A_3 = arith.constant 0 : index
    %get3A_4 = vector.load %arg1[%get3A_2, %get3A_3] : memref<128x16xf32, #tpu.memory_space<vmem>>, vector<128x16xf32>
    %dot_general3A = arith.constant dense<0.000000e+00> : vector<10000x16xf32>
    %dot_general3A_5 = tpu.matmul %get3A_1, %get3A_4, %dot_general3A {dimension_numbers = #tpu.dot_dimension_numbers<[1], [0], [0], [1], [0, 0, 1, 1], [], []>, transpose_lhs_hint = false} : vector<10000x128xf32>, vector<128x16xf32>, vector<10000x16xf32> -> vector<10000x16xf32>
    %swap3A = arith.constant 0 : index
    %swap3A_6 = arith.constant 0 : index
    %swap3A_7 = vector.load %arg2[%swap3A, %swap3A_6] : memref<10112x16xf32, #tpu.memory_space<vmem>>, vector<10000x16xf32>
    tpu.vector_store %arg2[%swap3A, %swap3A_6], %dot_general3A_5 {strides = array<i32>} : memref<10112x16xf32, #tpu.memory_space<vmem>>, vector<10000x16xf32>,
    return
  }
}

module attributes {stable_mosaic.version = 14 : i64} {
  func.func @_combine_matmul2_body(%arg0: memref<2x1264x128xf32, #tpu.memory_space<vmem>>, %arg1: memref<128x320xf32, #tpu.memory_space<vmem>>, %arg2: memref<1264x320xf32, #tpu.memory_space<vmem>>) attributes {dimension_semantics = [], scalar_prefetch = 0 : i64, scratch_operands = 0 : i64, tpu.core_type = #tpu.core_type<tc>} {
    %get3A = arith.constant 0 : index
    %get3A_0 = arith.constant 0 : index
    %get3A_1 = arith.constant 0 : index
    %get3A_2 = vector.load %arg0[%get3A, %get3A_0, %get3A_1] : memref<2x1264x128xf32, #tpu.memory_space<vmem>>, vector<1x1264x128xf32>
    %get3A_3 = vector.shape_cast %get3A_2 : vector<1x1264x128xf32> to vector<1264x128xf32>
    %get3A_4 = arith.constant 1 : index
    %get3A_5 = arith.constant 0 : index
    %get3A_6 = arith.constant 0 : index
    %get3A_7 = vector.load %arg0[%get3A_4, %get3A_5, %get3A_6] : memref<2x1264x128xf32, #tpu.memory_space<vmem>>, vector<1x1264x128xf32>
    %get3A_8 = vector.shape_cast %get3A_7 : vector<1x1264x128xf32> to vector<1264x128xf32>
    %add3A = arith.addf %get3A_3, %get3A_8 : vector<1264x128xf32>
    %get3A_9 = arith.constant 0 : index
    %get3A_10 = arith.constant 0 : index
    %get3A_11 = vector.load %arg1[%get3A_9, %get3A_10] : memref<128x320xf32, #tpu.memory_space<vmem>>, vector<128x320xf32>
    %dot_general3A = arith.constant dense<0.000000e+00> : vector<1264x320xf32>
    %dot_general3A_12 = tpu.matmul %add3A, %get3A_11, %dot_general3A {dimension_numbers = #tpu.dot_dimension_numbers<[1], [0], [0], [1], [0, 0, 1, 1], [], []>, transpose_lhs_hint = false} : vector<1264x128xf32>, vector<128x320xf32>, vector<1264x320xf32> -> vector<1264x320xf32>
    %swap3A = arith.constant 0 : index
    %swap3A_13 = arith.constant 0 : index
    %swap3A_14 = vector.load %arg2[%swap3A, %swap3A_13] : memref<1264x320xf32, #tpu.memory_space<vmem>>, vector<1264x320xf32>
    tpu.vector_store %arg2[%swap3A, %swap3A_13], %dot_general3A_12 {strides = array<i32>} : memref<1264x320xf32, #tpu.memory_space<vmem>>, vector<1264x320xf32>,
    return
  }
}

</mosaic_0001>

<sc_bundles>
// kernel: kernel.6.cloned.1.call-start
scs
__scs_entry_jumppad:
0x0: {  	(pc) =	sbr.rel $0x88, $3  }
0x1: {  	(tag) =	ssettag $0x0;
	lr =	simm.s32 $0x1  }
0x2: {  	[smem:$0x3F9D] =	sst lr;
	_ =	strace $0xD0000000  }
0x3: {  	_ = 	snop  }
0x4: {  	_ = 	snop  }
0x5: {  	_ = 	snop  }
0x6: {  	_ = 	snop  }
0x7: {  	_ = 	snop  }
__scs_overlays_trampoline_lowered:
0x8: {  	[smem:$0x3FAC] =	sst s0  }
0x9: {  	[smem:$0x3FAD] =	sst s1  }
0xa: {  	[smem:$0x3FAE] =	sst s2  }
0xb: {  	[smem:$0x3FAF] =	sst s3  }
0xc: {  	[smem:$0x3FB0] =	sst s4  }
0xd: {  	[smem:$0x3FB1] =	sst s5  }
0xe: {  	[smem:$0x3FB2] =	sst s6  }
0xf: {  	[smem:$0x3FB3] =	sst s7  }
0x10: {  	[smem:$0x3FB4] =	sst s8  }
0x11: {  	[smem:$0x3FB5] =	sst s9;
	s0 =	simm.s32 @!p0 $0x0  }
0x12: {  	s1 =	sld [smem:$0x3F9B];
	s0 =	simm.s32 @p0 $0x1  }
0x13: {  	[smem:$0x3FB6] =	sst s0;
	s0 =	simm.s32 @!p1 $0x0  }
0x14: {  	s2 =	sld [smem:$0x3F9A];
	s0 =	simm.s32 @p1 $0x1  }
0x15: {  	[smem:$0x3FB7] =	sst s0;
	s0 =	simm.s32 @!p2 $0x0  }
0x16: {  	s3 =	sld [smem:$0x3FDB];
	s0 =	simm.s32 @p2 $0x1  }
0x17: {  	s4 =	simm.s32 $0x1BF5;
	[smem:$0x3FB9] =	sst s0  }
0x18: {  	s0 =	sld [smem:$0x3F9C];
	_ =	swait.ge [sflag:s4], $0x0  }
0x19: {  	s7 =	sld [smem:$0x3F9D]  }
0x1a: {  	s8 =	sadd.s32 $0xFFFFE003, lr  }
0x1b: {  	s9 =	sadd.s32 $0xFFFFFEF7, lr;
	s5 =	simm.s32 $0xFFFFFFFF;
	p2 =	slt.u32 s8, $0xFFFFF086  }
0x1c: {  	p1 =	slt.u32 s9, $0xF7A;
	s5 =	simm.s32 @!p2 $0x0  }
0x1d: {  	s5 =	simm.s32 @p1 $0x1;
	p0 =	seq.s32 s7, s2  }
0x1e: {  	s7 =	smul.u32 @!p0 $0xF7A, s2;
	p2 =	seq.s32 @!p0 s5, $0x0  }
0x1f: {  	s9 =	smul.u32 $0xF7A, s1;
	s8 =	simm.s32 @!p0 $0x1BF5;
	p2 =	por !p2, p0  }
0x20: {  	[sflag:s8] =	ssyncset.s32 @!p0 $0xFFFFF086;
	s6 =	sadd.s32 @!p0 s3, s7;
	s7 =	simm.s32 @!p0 $0x108  }
0x21: {  	s3 =	sadd.s32 s3, s9;
	s6 =	sadd.s32 @!p0 $0x88, s6;
	s7 =	simm.s32 @p2 $0x1082  }
0x22: {  	[simem:s7], [sflag:s8] =	dma.local @!p0 [hbm:s6], $0xF7A  }
0x23: {  	s9 =	sor.u32 $0xD0000000, s2;
	s6 =	simm.s32 $0x108;
	_ =	swait.ge @!p0 [sflag:s8], $0x0  }
0x24: {  	s3 =	sadd.s32 $0x88, s3;
	s6 =	simm.s32 @!p1 $0x1082;
	[sflag:s4] =	ssyncset.s32 $0xFFFFF086  }
0x25: {  	[simem:s6], [sflag:s4] =	dma.local [hbm:s3], $0xF7A  }
0x26: {  	[smem:$0x3F9D] =	sst s1;
	(tag) =	ssettag s2;
	_ =	strace s9  }
0x27: {  	s1 =	sld [smem:$0x3FAD]  }
0x28: {  	s2 =	sld [smem:$0x3FAE]  }
0x29: {  	s4 =	sld [smem:$0x3FB0]  }
0x2a: {  	p0 =	seq.s32 s5, $0x0;
	s5 =	sld [smem:$0x3FB1]  }
0x2b: {  	s6 =	sld [smem:$0x3FB2]  }
0x2c: {  	s7 =	sld [smem:$0x3FB3]  }
0x2d: {  	s3 =	simm.s32 $0x108;
	s8 =	sld [smem:$0x3FB4]  }
0x2e: {  	s3 =	simm.s32 @!p0 $0x1082;
	s9 =	sld [smem:$0x3FB5]  }
0x2f: {  	lr =	sadd.s32 s0, s3;
	s0 =	sld [smem:$0x3FAC]  }
0x30: {  	s3 =	sld [smem:$0x3FAF]  }
0x31: {  	[smem:$0x3FB8] =	sst s10  }
0x32: {  	s10 =	sld [smem:$0x3FB6];
	_ =	sdelay $0x3  }
0x33: {  	p0 =	seq.s32 s10, $0x1;
	s10 =	sld [smem:$0x3FB8];
	_ =	sdelay $0x3  }
0x34: {  	[smem:$0x3FB8] =	sst s10  }
0x35: {  	s10 =	sld [smem:$0x3FB7];
	_ =	sdelay $0x3  }
0x36: {  	p1 =	seq.s32 s10, $0x1;
	s10 =	sld [smem:$0x3FB8];
	_ =	sdelay $0x3  }
0x37: {  	[smem:$0x3FB8] =	sst s10  }
0x38: {  	s10 =	sld [smem:$0x3FB9]  }
0x39: {  	_ = 	snop;
	(pc) =	sbr.ind lr, $3  }
0x3a: {  	_ = 	snop  }
0x3b: {  	_ = 	snop  }
0x3c: {  	p2 =	seq.s32 s10, $0x1;
	s10 =	sld [smem:$0x3FB8]  }
0x3d: {  	_ =	shalt  }
0x3e: {  	_ =	shalt  }
0x3f: {  	_ =	shalt  }
0x40: {  	_ =	shalt  }
0x41: {  	_ =	shalt  }
0x42: {  	_ =	shalt  }
0x43: {  	_ =	shalt  }
0x44: {  	_ =	shalt  }
0x45: {  	_ =	shalt  }
0x46: {  	_ =	shalt  }
0x47: {  	_ =	shalt  }
0x48: {  	_ =	shalt  }
0x49: {  	_ =	shalt  }
0x4a: {  	_ =	shalt  }
0x4b: {  	_ =	shalt  }
0x4c: {  	_ =	shalt  }
0x4d: {  	_ =	shalt  }
0x4e: {  	_ =	shalt  }
0x4f: {  	_ =	shalt  }
0x50: {  	_ =	shalt  }
0x51: {  	_ =	shalt  }
0x52: {  	_ =	shalt  }
0x53: {  	_ =	shalt  }
0x54: {  	_ =	shalt  }
0x55: {  	_ =	shalt  }
0x56: {  	_ =	shalt  }
0x57: {  	_ =	shalt  }
0x58: {  	_ =	shalt  }
0x59: {  	_ =	shalt  }
0x5a: {  	_ =	shalt  }
0x5b: {  	_ =	shalt  }
0x5c: {  	_ =	shalt  }
0x5d: {  	_ =	shalt  }
0x5e: {  	_ =	shalt  }
0x5f: {  	_ =	shalt  }
0x60: {  	_ =	shalt  }
0x61: {  	_ =	shalt  }
0x62: {  	_ =	shalt  }
0x63: {  	_ =	shalt  }
0x64: {  	_ =	shalt  }
0x65: {  	_ =	shalt  }
0x66: {  	_ =	shalt  }
0x67: {  	_ =	shalt  }
0x68: {  	_ =	shalt  }
0x69: {  	_ =	shalt  }
0x6a: {  	_ =	shalt  }
0x6b: {  	_ =	shalt  }
0x6c: {  	_ =	shalt  }
0x6d: {  	_ =	shalt  }
0x6e: {  	_ =	shalt  }
0x6f: {  	_ =	shalt  }
0x70: {  	_ =	shalt  }
0x71: {  	_ =	shalt  }
0x72: {  	_ =	shalt  }
0x73: {  	_ =	shalt  }
0x74: {  	_ =	shalt  }
0x75: {  	_ =	shalt  }
0x76: {  	_ =	shalt  }
0x77: {  	_ =	shalt  }
0x78: {  	_ =	shalt  }
0x79: {  	_ =	shalt  }
0x7a: {  	_ =	shalt  }
0x7b: {  	_ =	shalt  }
0x7c: {  	_ =	shalt  }
0x7d: {  	_ =	shalt  }
0x7e: {  	_ =	shalt  }
0x7f: {  	_ =	shalt  }
0x80: {  	_ =	shalt  }
0x81: {  	_ =	shalt  }
0x82: {  	_ =	shalt  }
0x83: {  	_ =	shalt  }
0x84: {  	_ =	shalt  }
0x85: {  	_ =	shalt  }
0x86: {  	_ =	shalt  }
0x87: {  	_ =	shalt  }
.Lfunc_end0:
.L_simem_size_0:
called_computation_lowered:
.L_overlay_start_0:
0x88: {  	s2 =	sld [smem:$0x3FD9]  }
0x89: {  	s3 =	sld [smem:$0x3FFE];
	_ =	sdelay $0x1  }
0x8a: {  	s1 =	srdreg.scid  }
0x8b: {  	s0 =	sand.u32 $0x1, s1  }
0x8c: {  	s17 =	sshll.u32 s0, $0xA;
	s2 =	sadd.s32 s3, s2  }
0x8d: {  	s2 =	sadd.s32 s2, s17  }
0x8e: {  	[smem:$0x3FC4] =	sst s2  }
0x8f: {  	_ = 	snop  }
0x90: {  	s2 =	sld [smem:$0x3FD0];
	(tm) =	ssettm $0x1  }
0x91: {  	s18 =	sld [smem:$0x3FFB];
	_ =	sdelay $0x3  }
0x92: {  	_ =	strace s18  }
0x93: {  	s3 =	sld [smem:$0x3FFC];
	_ =	sdelay $0x3  }
0x94: {  	_ =	strace s3  }
0x95: {  	s3 =	sld [smem:$0x3FFD];
	_ =	sdelay $0x3  }
0x96: {  	_ =	strace s3  }
0x97: {  	_ =	strace $0x8FFFFFFF  }
0x98: {  	s19 =	sld [smem:$0x3FDB];
	_ =	sdelay $0x1  }
0x99: {  	s4 =	simm.s32 $_scs_section_size  }
0x9a: {  	s5 =	simm.s32 $_size__tile_overlayer_lowered;
	s6 =	simm.s32 $_tile_overlayer_lowered  }
0x9b: {  	s22 =	simm.s32 $0x1BFF;
	s21 =	sshll.u32 s6, $0x1;
	s3 =	sadd.s32 s4, s19  }
0x9c: {  	s7 =	simm.s32 $0x0;
	s20 =	sshll.u32 s5, $0x1;
	s5 =	sadd.s32 s21, s3  }
0x9d: {  	[timem:s7], [sflag:s22] =	dma.local [hbm:s5], s20  }
0x9e: {  	_ =	swait.ge [sflag:s22], s20  }
0x9f: {  	s4 =	ssub.s32 $0x0, s20;
	[sflag:s22] =	ssyncset.done $0x0  }
0xa0: {  	[sflag:s22] =	ssyncadd.s32 s4;
	_ =	sdelay $0x1  }
0xa1: {  	s23 =	simm.s32 $0x1B8B  }
0xa2: {  	_ =	swait.ge [sflag:s23], $0x1  }
0xa3: {  	[sflag:s23] =	ssyncset.done $0x0  }
0xa4: {  	s25 =	simm.s32 $0x1B8E;
	s24 =	sld [smem:$0x3FFE];
	[sflag:s23] =	ssyncadd.s32 $0xFFFFFFFF  }
0xa5: {  	s26 =	simm.s32 $execute0_lowered;
	[smem:$0x3FD2] =	sst s25  }
0xa6: {  	s5 =	sshll.u32 s26, $0x1;
	_ =	strace $0x80000046;
	[dreg:$0x1] =	wrdreg $0xFFFFFFFF  }
0xa7: {  	s28 =	simm.s32 $_size_execute0_lowered;
	s3 =	sadd.s32 s3, s5;
	[dreg:$0x0] =	wrdreg $0x0  }
0xa8: {  	s5 =	sshll.u32 s28, $0x1;
	[dreg:$0x2] =	wrdreg s3  }
0xa9: {  	[dreg:$0x3] =	wrdreg s5  }
0xaa: {  	[dreg:$0x4] =	wrdreg $0xC0  }
0xab: {  	_ =	task [dreg:s7], $0x5FFFF  }
0xac: {  	[dreg:$0x1] =	wrdreg $0xFFFFFFFF  }
0xad: {  	[dreg:$0x0] =	wrdreg $0x60  }
0xae: {  	[dreg:$0x2] =	wrdreg s24  }
0xaf: {  	[dreg:$0x3] =	wrdreg s2  }
0xb0: {  	[dreg:$0x4] =	wrdreg $0x6F000  }
0xb1: {  	[dreg:$0x5] =	wrdreg $0x96800  }
0xb2: {  	[dreg:$0x6] =	wrdreg $0x9  }
0xb3: {  	_ =	task.clear_ibuf [dreg:s7], $0x7FFFF;
	_ =	strace $0x90000046  }
0xb4: {  	s29 =	simm.s32 $0x9;
	_ =	strace $0x80000048  }
0xb5: {  	_ =	swait.ge [sflag:s29], $0x1  }
0xb6: {  	[sflag:s29] =	ssyncadd.s32 $0xFFFFFFFF  }
0xb7: {  	_ =	strace $0x90000048  }
0xb8: {  	_ =	sfence  }
0xb9: {  	s30 =	sld [smem:$0x0];
	_ =	sdelay $0x2  }
0xba: {  	s31 =	sshll.u32 s1, $0xD;
	s1 =	sshrl.u32 s1, $0x2  }
0xbb: {  	s3 =	sand.u32 $0x4000, s31;
	s1 =	sadd.s32 s1, s30  }
0xbc: {  	s0 =	sor.u32 s3, s0;
	s1 =	sshll.u32 s1, $0x11  }
0xbd: {  	s0 =	sor.u32 s1, s0  }
0xbe: {  	s0 =	sadd.s32 $0x8F2B, s0  }
0xbf: {  	[sflag:s0] =	ssyncadd.remote.s32 $0x1  }
0xc0: {  	_ =	sfence.sel $0xFFFF  }
0xc1: {  	[dreg:$0x0] =	wrdreg $0xFFFFFFFF;
	(pc) =	sbr.abs _section_cstart, $3  }
0xc2: {  	[dreg:$0x1] =	wrdreg $0xFFFFFFFF  }
0xc3: {  	_ =	task.clear_ibuf [dreg:s7], $0x2FFFF;
	_ =	strace $0x9FFFFFFF  }
0xc4: {  	(tm) =	ssettm $0x7FFFFFFF  }
0xc5: {  	_ =	shalt  }
tec
execute0_lowered:
.L_overlay_start_1:
0x0: {  	(tag) =	ssettag $0x1  }
0x1: {  	s0 =	rddreg [dreg:$0x0]  }
0x2: {  	s1 =	rddreg [dreg:$0x1]  }
0x3: {  	s2 =	rddreg [dreg:$0x2]  }
0x4: {  	s3 =	rddreg [dreg:$0x3]  }
0x5: {  	s4 =	simm.s32 $0x0;
	s14 =	stileid.u32;
	s5 =	srdreg.scid  }
0x6: {  	s16 =	simm.s32 $0x2780;
	s17 =	simm.s32 $0x80;
	s18 =	simm.s32 $0x4F00  }
0x7: {  	s19 =	simm.s32 $0x5700;
	s28 =	simm.s32 $0x5;
	s30 =	simm.s32 $0x3  }
0x8: {  	s20 =	simm.s32 $0x4;
	s31 =	simm.s32 $0x8;
	s29 =	simm.s32 $0x0  }
0x9: {  	[smem:$0x7FF] =	sst s4;
	s6 =	smul.u32 $0x2780, s14;
	s5 =	sand.u32 $0x1, s5  }
0xa: {  	s8 =	sadd.s32 $0xE00, s0;
	s10 =	sshll.u32 s14, $0x1;
	p0 =	slt.u32 s14, $0xE  }
0xb: {  	s23 =	sshll.u32 s14, $0x6;
	s14 =	simm.s32 $0x9;
	_ =	strace $0x80000047  }
0xc: {  	s7 =	smul.u32 $0x27800, s5;
	s10 =	sor.u32 s5, s10;
	s12 =	ssub.s32 $0x2, s5  }
0xd: {  	s5 =	simm.s32 $0x4E;
	s9 =	sshrl.u32 s6, $0x3;
	s13 =	smul.u32 $0x4F, s10  }
0xe: {  	s21 =	sshrl.u32 s12, $0x1;
	s10 =	smul.u32 $0x4E, s10;
	s5 =	simm.s32 @!p0 $0x4F  }
0xf: {  	s22 =	sadd.s32 s6, s2;
	s11 =	sadd.s32 s9, s0;
	s7 =	sadd.s32 s6, s7  }
0x10: {  	s12 =	ssub.s32 s12, s21;
	s6 =	sadd.s32 s6, s3;
	s1 =	sadd.s32 s1, s9  }
0x11: {  	s21 =	simm.s32 $0x5F00;
	s7 =	sshrl.u32 s7, $0x3;
	s13 =	sadd.s32 $0x1FFFFE4, s13  }
0x12: {  	s11 =	sadd.s32 $0x14800, s11;
	[dreg:$0x6] =	wrdreg s1;
	s12 =	smax.u32 s12, $0x1  }
0x13: {  	s15 =	sshrl.u32 s6, $0x3;
	s0 =	sadd.s32 s7, s0;
	s13 =	smov.u32 @p0 s10  }
0x14: {  	[dreg:$0x5] =	wrdreg s11;
	s7 =	sor.u32 $0x1C09, s23;
	s13 =	sshll.u32 s13, $0x7  }
0x15: {  	s0 =	sadd.s32 $0x19800, s0;
	s24 =	sadd.s32 $0x4E200, s13;
	s13 =	sshrl.u32 s13, $0x3  }
0x16: {  	[dreg:$0x9] =	wrdreg s0;
	s0 =	simm.s32 $0x6;
	s11 =	sshrl.u32 s24, $0x3  }
0x17: {  	s25 =	sadd.s32 s8, s13;
	s13 =	sshrl.u32 s22, $0x3;
	s22 =	simm.s32 $0x1  }
0x18: {  	s24 =	simm.s32 $0x6700;
	[dreg:$0x7] =	wrdreg s25;
	s26 =	sadd.s32 s8, s11  }
0x19: {  	s25 =	simm.s32 $0x2;
	[dreg:$0x8] =	wrdreg s26;
	s26 =	simm.s32 $0x7  }
.LBB2_1:
0x1a: {  	s1 =	rddreg [dreg:$0x5]  }
0x1b: {  	[spmem:s13], [sflag:s7] =	dma.local [hbm:s1], $0x4F0  }
0x1c: {  	_ =	swait.ge [sflag:s14], $0x4F0  }
0x1d: {  	[sflag:s14] =	ssyncset.done $0x0  }
0x1e: {  	s6 =	rddreg [dreg:$0x6];
	[sflag:s14] =	ssyncadd.s32 $0xFFFFFB10  }
0x1f: {  	[spmem:s15], [sflag:s7] =	dma.local [hbm:s6], $0x4F0  }
0x20: {  	_ =	swait.ge [sflag:s14], $0x4F0  }
0x21: {  	[sflag:s14] =	ssyncset.done $0x0  }
0x22: {  	[sflag:s14] =	ssyncadd.s32 $0xFFFFFB10  }
0x23: {  	[bflag:$0x0] =	sbarrier.arrive $0xFFFF  }
0x24: {  	s8 =	rddreg [dreg:$0x7]  }
0x25: {  	[tilespmem:s4], [sflag:$0x9] =	stream.linear.gather [hbm4b:s8+s4], $0x2780, $0x38;
	[tilespmem:$0xBE00] =	vst v63  }
0x26: {  	_ =	swait.ge [sflag:s14], $0x2780  }
0x27: {  	[sflag:s14] =	ssyncset.done $0x0  }
0x28: {  	s9 =	rddreg [dreg:$0x8];
	[sflag:s14] =	ssyncadd.s32 $0xFFFFD880  }
0x29: {  	[tilespmem:s16], [sflag:$0x9] =	stream.linear.gather [hbm4b:s9+s4], $0x2780, $0x38;
	[tilespmem:$0xBE00] =	vst v63  }
0x2a: {  	_ =	swait.ge [sflag:s14], $0x2780  }
0x2b: {  	[sflag:s14] =	ssyncset.done $0x0  }
0x2c: {  	[sflag:s14] =	ssyncadd.s32 $0xFFFFD880  }
0x2d: {  	[tilespmem:s18], [sflag:$0x1] =	stream.indirect.gather [spmem:s3], $0x10, s4, s17, $0xb8;
	[tilespmem:$0xBE00] =	vst v63  }
0x2e: {  	_ = 	snop  }
0x2f: {  	[tilespmem:s19], [sflag:$0x2] =	stream.indirect.gather [spmem:s3], $0x10, s17, s17, $0xb8;
	[tilespmem:$0xBE00] =	vst v63  }
0x30: {  	s10 =	simm.s32 $0x100  }
0x31: {  	[tilespmem:s21], [sflag:$0x3] =	stream.indirect.gather [spmem:s3], $0x10, s10, s17, $0xb8;
	[tilespmem:$0xBE00] =	vst v63  }
0x32: {  	_ =	swait.ge [sflag:s22], $0x800  }
0x33: {  	[sflag:s22] =	ssyncset.done $0x0  }
0x34: {  	[sflag:s22] =	ssyncadd.s32 $0xFFFFF800  }
0x35: {  	[spmem:s2] =	stream.indirect.scatter.add.f32 [tilespmem:s18], [sflag:$0x5], $0x10, s16, s17, $0xb8;
	[tilespmem:$0xBE00] =	vst v63  }
0x36: {  	s11 =	simm.s32 $0x180  }
0x37: {  	[tilespmem:s24], [sflag:$0x4] =	stream.indirect.gather [spmem:s3], $0x10, s11, s17, $0xb8;
	[tilespmem:$0xBE00] =	vst v63  }
0x38: {  	_ =	swait.ge [sflag:s25], $0x800  }
0x39: {  	[sflag:s25] =	ssyncset.done $0x0  }
0x3a: {  	s23 =	simm.s32 $0x2800;
	[sflag:s25] =	ssyncadd.s32 $0xFFFFF800  }
0x3b: {  	[spmem:s2] =	stream.indirect.scatter.add.f32 [tilespmem:s19], [sflag:$0x6], $0x10, s23, s17, $0xb8;
	[tilespmem:$0xBE00] =	vst v63  }
0x3c: {  	_ =	swait.ge [sflag:s28], $0x800  }
0x3d: {  	[sflag:s28] =	ssyncset.done $0x0  }
0x3e: {  	s6 =	simm.s32 $0x200;
	[sflag:s28] =	ssyncadd.s32 $0xFFFFF800  }
0x3f: {  	[tilespmem:s18], [sflag:$0x1] =	stream.indirect.gather [spmem:s3], $0x10, s6, s17, $0xb8;
	[tilespmem:$0xBE00] =	vst v63  }
0x40: {  	_ =	swait.ge [sflag:s30], $0x800  }
0x41: {  	[sflag:s30] =	ssyncset.done $0x0  }
0x42: {  	s8 =	simm.s32 $0x2880;
	[sflag:s30] =	ssyncadd.s32 $0xFFFFF800  }
0x43: {  	[spmem:s2] =	stream.indirect.scatter.add.f32 [tilespmem:s21], [sflag:$0x7], $0x10, s8, s17, $0xb8;
	[tilespmem:$0xBE00] =	vst v63  }
0x44: {  	_ =	swait.ge [sflag:s0], $0x800  }
0x45: {  	[sflag:s0] =	ssyncset.done $0x0  }
0x46: {  	s9 =	simm.s32 $0x280;
	[sflag:s0] =	ssyncadd.s32 $0xFFFFF800  }
0x47: {  	[tilespmem:s19], [sflag:$0x2] =	stream.indirect.gather [spmem:s3], $0x10, s9, s17, $0xb8;
	[tilespmem:$0xBE00] =	vst v63  }
0x48: {  	_ =	swait.ge [sflag:s20], $0x800  }
0x49: {  	[sflag:s20] =	ssyncset.done $0x0  }
0x4a: {  	s10 =	simm.s32 $0x2900;
	[sflag:s20] =	ssyncadd.s32 $0xFFFFF800  }
0x4b: {  	[spmem:s2] =	stream.indirect.scatter.add.f32 [tilespmem:s24], [sflag:$0x8], $0x10, s10, s17, $0xb8;
	[tilespmem:$0xBE00] =	vst v63  }
0x4c: {  	_ =	swait.ge [sflag:s26], $0x800  }
0x4d: {  	[sflag:s26] =	ssyncset.done $0x0  }
0x4e: {  	s11 =	simm.s32 $0x300;
	[sflag:s26] =	ssyncadd.s32 $0xFFFFF800  }
0x4f: {  	[tilespmem:s21], [sflag:$0x3] =	stream.indirect.gather [spmem:s3], $0x10, s11, s17, $0xb8;
	[tilespmem:$0xBE00] =	vst v63  }
0x50: {  	_ =	swait.ge [sflag:s22], $0x800  }
0x51: {  	[sflag:s22] =	ssyncset.done $0x0  }
0x52: {  	s23 =	simm.s32 $0x2980;
	[sflag:s22] =	ssyncadd.s32 $0xFFFFF800  }
0x53: {  	[spmem:s2] =	stream.indirect.scatter.add.f32 [tilespmem:s18], [sflag:$0x5], $0x10, s23, s17, $0xb8;
	[tilespmem:$0xBE00] =	vst v63  }
0x54: {  	_ =	swait.ge [sflag:s31], $0x800  }
0x55: {  	[sflag:s31] =	ssyncset.done $0x0  }
0x56: {  	s6 =	simm.s32 $0x380;
	[sflag:s31] =	ssyncadd.s32 $0xFFFFF800  }
0x57: {  	[tilespmem:s24], [sflag:$0x4] =	stream.indirect.gather [spmem:s3], $0x10, s6, s17, $0xb8;
	[tilespmem:$0xBE00] =	vst v63  }
0x58: {  	_ =	swait.ge [sflag:s25], $0x800  }
0x59: {  	[sflag:s25] =	ssyncset.done $0x0  }
0x5a: {  	s8 =	simm.s32 $0x2A00;
	[sflag:s25] =	ssyncadd.s32 $0xFFFFF800  }
0x5b: {  	[spmem:s2] =	stream.indirect.scatter.add.f32 [tilespmem:s19], [sflag:$0x6], $0x10, s8, s17, $0xb8;
	[tilespmem:$0xBE00] =	vst v63  }
0x5c: {  	_ =	swait.ge [sflag:s28], $0x800  }
0x5d: {  	[sflag:s28] =	ssyncset.done $0x0  }
0x5e: {  	s9 =	simm.s32 $0x400;
	[sflag:s28] =	ssyncadd.s32 $0xFFFFF800  }
0x5f: {  	[tilespmem:s18], [sflag:$0x1] =	stream.indirect.gather [spmem:s3], $0x10, s9, s17, $0xb8;
	[tilespmem:$0xBE00] =	vst v63  }
0x60: {  	_ =	swait.ge [sflag:s30], $0x800  }
0x61: {  	[sflag:s30] =	ssyncset.done $0x0  }
0x62: {  	s10 =	simm.s32 $0x2A80;
	[sflag:s30] =	ssyncadd.s32 $0xFFFFF800  }
0x63: {  	[spmem:s2] =	stream.indirect.scatter.add.f32 [tilespmem:s21], [sflag:$0x7], $0x10, s10, s17, $0xb8;
	[tilespmem:$0xBE00] =	vst v63  }
0x64: {  	_ =	swait.ge [sflag:s0], $0x800  }
0x65: {  	[sflag:s0] =	ssyncset.done $0x0  }
0x66: {  	s11 =	simm.s32 $0x480;
	[sflag:s0] =	ssyncadd.s32 $0xFFFFF800  }
0x67: {  	[tilespmem:s19], [sflag:$0x2] =	stream.indirect.gather [spmem:s3], $0x10, s11, s17, $0xb8;
	[tilespmem:$0xBE00] =	vst v63  }
0x68: {  	_ =	swait.ge [sflag:s20], $0x800  }
0x69: {  	p2 =	sle.u32 s5, $0xA;
	s1 =	simm.s32 $0xA;
	[sflag:s20] =	ssyncset.done $0x0  }
0x6a: {  	s23 =	simm.s32 $0x2B00;
	s8 =	simm.s32 @!p2 $0x7;
	[sflag:s20] =	ssyncadd.s32 $0xFFFFF800  }
0x6b: {  	[spmem:s2] =	stream.indirect.scatter.add.f32 [tilespmem:s24], [sflag:$0x8], $0x10, s23, s17, $0xb8;
	[tilespmem:$0xBE00] =	vst v63  }
0x6c: {  	s9 =	simm.s32 @!p2 $0x500;
	s10 =	simm.s32 @!p2 $0x80;
	_ =	swait.ge @!p2 [sflag:s8], $0x800  }
0x6d: {  	s11 =	simm.s32 @!p2 $0x5F00;
	s23 =	simm.s32 $0x800;
	[sflag:s8] =	ssyncset.done @!p2 $0x0  }
.LBB2_2:
0x6e: {  	[sflag:s8] =	ssyncadd.s32 @!p2 $0xFFFFF800  }
0x6f: {  	s1 =	sadd.s32 $0x4, s1;
	s6 =	smov.u32 s23;
	s23 =	sadd.s32 $0x800, s23  }
0x70: {  	[tilespmem:s11], [sflag:$0x3] =	stream.indirect.gather @!p2 [spmem:s3], $0x10, s9, s10, $0xb8;
	[tilespmem:$0xBE00] =	vst v63  }
0x71: {  	p1 =	sne.s32 s23, $0x9000;
	_ =	swait.ge [sflag:s22], $0x800  }
0x72: {  	s8 =	sshra.s32 s6, $0x2;
	[sflag:s22] =	ssyncset.done $0x0  }
0x73: {  	s9 =	sadd.s32 $0x2980, s8;
	[sflag:s22] =	ssyncadd.s32 $0xFFFFF800  }
0x74: {  	[spmem:s2] =	stream.indirect.scatter.add.f32 [tilespmem:s18], [sflag:$0x5], $0x10, s9, s17, $0xb8;
	[tilespmem:$0xBE00] =	vst v63  }
0x75: {  	_ =	swait.ge [sflag:s31], $0x800  }
0x76: {  	[sflag:s31] =	ssyncset.done $0x0  }
0x77: {  	s9 =	sadd.s32 $0x380, s8;
	[sflag:s31] =	ssyncadd.s32 $0xFFFFF800  }
0x78: {  	[tilespmem:s24], [sflag:$0x4] =	stream.indirect.gather [spmem:s3], $0x10, s9, s17, $0xb8;
	[tilespmem:$0xBE00] =	vst v63  }
0x79: {  	_ =	swait.ge [sflag:s25], $0x800  }
0x7a: {  	[sflag:s25] =	ssyncset.done $0x0  }
0x7b: {  	s9 =	sadd.s32 $0x2A00, s8;
	[sflag:s25] =	ssyncadd.s32 $0xFFFFF800  }
0x7c: {  	[spmem:s2] =	stream.indirect.scatter.add.f32 [tilespmem:s19], [sflag:$0x6], $0x10, s9, s17, $0xb8;
	[tilespmem:$0xBE00] =	vst v63  }
0x7d: {  	_ =	swait.ge [sflag:s28], $0x800  }
0x7e: {  	[sflag:s28] =	ssyncset.done $0x0  }
0x7f: {  	s9 =	sadd.s32 $0x400, s8;
	[sflag:s28] =	ssyncadd.s32 $0xFFFFF800  }
0x80: {  	[tilespmem:s18], [sflag:$0x1] =	stream.indirect.gather [spmem:s3], $0x10, s9, s17, $0xb8;
	[tilespmem:$0xBE00] =	vst v63  }
0x81: {  	_ =	swait.ge [sflag:s30], $0x800  }
0x82: {  	[sflag:s30] =	ssyncset.done $0x0  }
0x83: {  	s9 =	sadd.s32 $0x2A80, s8;
	[sflag:s30] =	ssyncadd.s32 $0xFFFFF800  }
0x84: {  	[spmem:s2] =	stream.indirect.scatter.add.f32 [tilespmem:s21], [sflag:$0x7], $0x10, s9, s17, $0xb8;
	[tilespmem:$0xBE00] =	vst v63  }
0x85: {  	_ =	swait.ge [sflag:s0], $0x800  }
0x86: {  	[sflag:s0] =	ssyncset.done $0x0  }
0x87: {  	s9 =	sadd.s32 $0x480, s8;
	[sflag:s0] =	ssyncadd.s32 $0xFFFFF800  }
0x88: {  	[tilespmem:s19], [sflag:$0x2] =	stream.indirect.gather [spmem:s3], $0x10, s9, s17, $0xb8;
	[tilespmem:$0xBE00] =	vst v63  }
0x89: {  	_ =	swait.ge [sflag:s20], $0x800  }
0x8a: {  	p2 =	sge.u32 s1, s5;
	[sflag:s20] =	ssyncset.done $0x0  }
.Ltmp0:
0x8b: {  	s8 =	sadd.s32 $0x2B00, s8;
	[sflag:s20] =	ssyncadd.s32 $0xFFFFF800;
	(pc) =	sbr.rel @p1 .LBB2_2-.Ltmp0, $4  }
0x8c: {  	[spmem:s2] =	stream.indirect.scatter.add.f32 [tilespmem:s24], [sflag:$0x8], $0x10, s8, s17, $0xb8;
	[tilespmem:$0xBE00] =	vst v63  }
0x8d: {  	s6 =	sshra.s32 @!p2 s6, $0x2;
	s8 =	simm.s32 @!p2 $0x7  }
0x8e: {  	s9 =	sadd.s32 @!p2 $0x500, s6;
	_ =	swait.ge @!p2 [sflag:s8], $0x800  }
0x8f: {  	s10 =	simm.s32 @!p2 $0x80;
	s11 =	simm.s32 @!p2 $0x5F00;
	[sflag:s8] =	ssyncset.done @!p2 $0x0  }
0x90: {  	[sflag:s8] =	ssyncadd.s32 @!p2 $0xFFFFF800  }
0x91: {  	[tilespmem:s11], [sflag:$0x3] =	stream.indirect.gather @!p2 [spmem:s3], $0x10, s9, s10, $0xb8;
	[tilespmem:$0xBE00] =	vst v63  }
0x92: {  	_ =	swait.ge [sflag:s22], $0x800  }
0x93: {  	[sflag:s22] =	ssyncset.done $0x0  }
0x94: {  	s1 =	simm.s32 $0x4D80;
	[sflag:s22] =	ssyncadd.s32 $0xFFFFF800  }
0x95: {  	[spmem:s2] =	stream.indirect.scatter.add.f32 [tilespmem:s18], [sflag:$0x5], $0x10, s1, s17, $0xb8;
	[tilespmem:$0xBE00] =	vst v63  }
0x96: {  	_ =	swait.ge [sflag:s25], $0x800  }
0x97: {  	[sflag:s25] =	ssyncset.done $0x0  }
0x98: {  	s11 =	simm.s32 $0x4E00;
	s1 =	simm.s32 @!p0 $0x3;
	[sflag:s25] =	ssyncadd.s32 $0xFFFFF800  }
0x99: {  	[spmem:s2] =	stream.indirect.scatter.add.f32 [tilespmem:s19], [sflag:$0x6], $0x10, s11, s17, $0xb8;
	[tilespmem:$0xBE00] =	vst v63  }
0x9a: {  	_ =	swait.ge @!p0 [sflag:s1], $0x800  }
0x9b: {  	s6 =	simm.s32 @!p0 $0x4E80;
	[sflag:s1] =	ssyncset.done @!p0 $0x0  }
0x9c: {  	s8 =	simm.s32 @!p0 $0x5F00;
	[sflag:s1] =	ssyncadd.s32 @!p0 $0xFFFFF800;
	s1 =	simm.s32 @!p0 $0x80  }
0x9d: {  	[spmem:s2] =	stream.indirect.scatter.add.f32 @!p0 [tilespmem:s8], [sflag:$0x7], $0x10, s6, s1, $0xb8;
	[tilespmem:$0xBE00] =	vst v63  }
0x9e: {  	_ =	swait.ge [sflag:s28], $0x800  }
0x9f: {  	[sflag:s28] =	ssyncset.done $0x0  }
0xa0: {  	[sflag:s28] =	ssyncadd.s32 $0xFFFFF800  }
0xa1: {  	_ =	swait.ge [sflag:s0], $0x800  }
0xa2: {  	[sflag:s0] =	ssyncset.done $0x0  }
0xa3: {  	[sflag:s0] =	ssyncadd.s32 $0xFFFFF800  }
0xa4: {  	_ =	swait.ge [sflag:s26], $0x800  }
0xa5: {  	[sflag:s26] =	ssyncset.done $0x0  }
0xa6: {  	[sflag:s26] =	ssyncadd.s32 $0xFFFFF800  }
0xa7: {  	_ =	swait.ge [sflag:s31], $0x800  }
0xa8: {  	[sflag:s31] =	ssyncset.done $0x0  }
0xa9: {  	s29 =	sadd.s32 $0x1, s29;
	[sflag:s31] =	ssyncadd.s32 $0xFFFFF800  }
0xaa: {  	p1 =	sne.s32 s29, s12;
	[bflag:$0x0] =	sbarrier.arrive $0xFFFF  }
.Ltmp1:
0xab: {  	s23 =	rddreg [dreg:$0x9];
	(pc) =	sbr.rel @p1 .LBB2_1-.Ltmp1, $4  }
0xac: {  	[hbm:s23], [sflag:s7] =	dma.local [spmem:s13], $0x4F0  }
0xad: {  	_ =	swait.ge [sflag:s14], $0x4F0  }
0xae: {  	[sflag:s14] =	ssyncset.done $0x0  }
0xaf: {  	[sflag:s14] =	ssyncadd.s32 $0xFFFFFB10  }
0xb0: {  	_ =	sfence.sel $0x180000  }
0xb1: {  	[bflag:$0x0] =	sbarrier.arrive $0xFFFF  }
0xb2: {  	_ =	strace $0x90000047  }
0xb3: {  	s0 =	stileid.u32;
	[bflag:$0x2] =	sbarrier.arrive $0xFFFF  }
0xb4: {  	p0 =	sne.s32 s0, $0x0;
	s0 =	rddreg [dreg:$0x4]  }
0xb5: {  	s0 =	sadd.s32 @!p0 $0x100000, s0  }
0xb6: {  	[sflag:s0] =	ssyncadd.tile.s32 @!p0 $0x1;
	_ =	shalt  }
.Lfunc_end2:
_tile_overlayer_lowered:
.L_overlay_start_2:
0xb7: {  	(tag) =	ssettag $0x2  }
0xb8: {  	s0 =	rddreg [dreg:$0x0];
	s2 =	stileid.u32  }
0xb9: {  	s1 =	rddreg [dreg:$0x1];
	p0 =	sne.s32 s2, $0x0  }
0xba: {  	s3 =	rddreg [dreg:$0x2];
	[bflag:$0x3] =	sbarrier.arrive $0xFFFF;
	s2 =	simm.s32 @!p0 $0x1C09  }
0xbb: {  	[timem:s3], [sflag:s2] =	dma.local @!p0 [hbm:s0], s1  }
0xbc: {  	s0 =	simm.s32 @!p0 $0x9  }
0xbd: {  	_ =	swait.ge @!p0 [sflag:s0], s1  }
0xbe: {  	s1 =	ssub.s32 @!p0 $0x0, s1;
	[sflag:s0] =	ssyncset.done @!p0 $0x0  }
0xbf: {  	[sflag:s0] =	ssyncadd.s32 @!p0 s1  }
0xc0: {  	[bflag:$0x3] =	sbarrier.arrive $0xFFFF  }
0xc1: {  	_ =	shalt  }

// kernel: kernel.9.cloned.1.call-start
scs
__scs_entry_jumppad:
0x0: {  	(pc) =	sbr.rel $0x88, $3  }
0x1: {  	(tag) =	ssettag $0x0;
	lr =	simm.s32 $0x1  }
0x2: {  	[smem:$0x3F9D] =	sst lr;
	_ =	strace $0xD0000000  }
0x3: {  	_ = 	snop  }
0x4: {  	_ = 	snop  }
0x5: {  	_ = 	snop  }
0x6: {  	_ = 	snop  }
0x7: {  	_ = 	snop  }
__scs_overlays_trampoline_lowered:
0x8: {  	[smem:$0x3FAC] =	sst s0  }
0x9: {  	[smem:$0x3FAD] =	sst s1  }
0xa: {  	[smem:$0x3FAE] =	sst s2  }
0xb: {  	[smem:$0x3FAF] =	sst s3  }
0xc: {  	[smem:$0x3FB0] =	sst s4  }
0xd: {  	[smem:$0x3FB1] =	sst s5  }
0xe: {  	[smem:$0x3FB2] =	sst s6  }
0xf: {  	[smem:$0x3FB3] =	sst s7  }
0x10: {  	[smem:$0x3FB4] =	sst s8  }
0x11: {  	[smem:$0x3FB5] =	sst s9;
	s0 =	simm.s32 @!p0 $0x0  }
0x12: {  	s1 =	sld [smem:$0x3F9B];
	s0 =	simm.s32 @p0 $0x1  }
0x13: {  	[smem:$0x3FB6] =	sst s0;
	s0 =	simm.s32 @!p1 $0x0  }
0x14: {  	s2 =	sld [smem:$0x3F9A];
	s0 =	simm.s32 @p1 $0x1  }
0x15: {  	[smem:$0x3FB7] =	sst s0;
	s0 =	simm.s32 @!p2 $0x0  }
0x16: {  	s3 =	sld [smem:$0x3FDB];
	s0 =	simm.s32 @p2 $0x1  }
0x17: {  	s4 =	simm.s32 $0x1BF5;
	[smem:$0x3FB9] =	sst s0  }
0x18: {  	s0 =	sld [smem:$0x3F9C];
	_ =	swait.ge [sflag:s4], $0x0  }
0x19: {  	s7 =	sld [smem:$0x3F9D]  }
0x1a: {  	s8 =	sadd.s32 $0xFFFFE003, lr  }
0x1b: {  	s9 =	sadd.s32 $0xFFFFFEF7, lr;
	s5 =	simm.s32 $0xFFFFFFFF;
	p2 =	slt.u32 s8, $0xFFFFF086  }
0x1c: {  	p1 =	slt.u32 s9, $0xF7A;
	s5 =	simm.s32 @!p2 $0x0  }
0x1d: {  	s5 =	simm.s32 @p1 $0x1;
	p0 =	seq.s32 s7, s2  }
0x1e: {  	s7 =	smul.u32 @!p0 $0xF7A, s2;
	p2 =	seq.s32 @!p0 s5, $0x0  }
0x1f: {  	s9 =	smul.u32 $0xF7A, s1;
	s8 =	simm.s32 @!p0 $0x1BF5;
	p2 =	por !p2, p0  }
0x20: {  	[sflag:s8] =	ssyncset.s32 @!p0 $0xFFFFF086;
	s6 =	sadd.s32 @!p0 s3, s7;
	s7 =	simm.s32 @!p0 $0x108  }
0x21: {  	s3 =	sadd.s32 s3, s9;
	s6 =	sadd.s32 @!p0 $0x88, s6;
	s7 =	simm.s32 @p2 $0x1082  }
0x22: {  	[simem:s7], [sflag:s8] =	dma.local @!p0 [hbm:s6], $0xF7A  }
0x23: {  	s9 =	sor.u32 $0xD0000000, s2;
	s6 =	simm.s32 $0x108;
	_ =	swait.ge @!p0 [sflag:s8], $0x0  }
0x24: {  	s3 =	sadd.s32 $0x88, s3;
	s6 =	simm.s32 @!p1 $0x1082;
	[sflag:s4] =	ssyncset.s32 $0xFFFFF086  }
0x25: {  	[simem:s6], [sflag:s4] =	dma.local [hbm:s3], $0xF7A  }
0x26: {  	[smem:$0x3F9D] =	sst s1;
	(tag) =	ssettag s2;
	_ =	strace s9  }
0x27: {  	s1 =	sld [smem:$0x3FAD]  }
0x28: {  	s2 =	sld [smem:$0x3FAE]  }
0x29: {  	s4 =	sld [smem:$0x3FB0]  }
0x2a: {  	p0 =	seq.s32 s5, $0x0;
	s5 =	sld [smem:$0x3FB1]  }
0x2b: {  	s6 =	sld [smem:$0x3FB2]  }
0x2c: {  	s7 =	sld [smem:$0x3FB3]  }
0x2d: {  	s3 =	simm.s32 $0x108;
	s8 =	sld [smem:$0x3FB4]  }
0x2e: {  	s3 =	simm.s32 @!p0 $0x1082;
	s9 =	sld [smem:$0x3FB5]  }
0x2f: {  	lr =	sadd.s32 s0, s3;
	s0 =	sld [smem:$0x3FAC]  }
0x30: {  	s3 =	sld [smem:$0x3FAF]  }
0x31: {  	[smem:$0x3FB8] =	sst s10  }
0x32: {  	s10 =	sld [smem:$0x3FB6];
	_ =	sdelay $0x3  }
0x33: {  	p0 =	seq.s32 s10, $0x1;
	s10 =	sld [smem:$0x3FB8];
	_ =	sdelay $0x3  }
0x34: {  	[smem:$0x3FB8] =	sst s10  }
0x35: {  	s10 =	sld [smem:$0x3FB7];
	_ =	sdelay $0x3  }
0x36: {  	p1 =	seq.s32 s10, $0x1;
	s10 =	sld [smem:$0x3FB8];
	_ =	sdelay $0x3  }
0x37: {  	[smem:$0x3FB8] =	sst s10  }
0x38: {  	s10 =	sld [smem:$0x3FB9]  }
0x39: {  	_ = 	snop;
	(pc) =	sbr.ind lr, $3  }
0x3a: {  	_ = 	snop  }
0x3b: {  	_ = 	snop  }
0x3c: {  	p2 =	seq.s32 s10, $0x1;
	s10 =	sld [smem:$0x3FB8]  }
0x3d: {  	_ =	shalt  }
0x3e: {  	_ =	shalt  }
0x3f: {  	_ =	shalt  }
0x40: {  	_ =	shalt  }
0x41: {  	_ =	shalt  }
0x42: {  	_ =	shalt  }
0x43: {  	_ =	shalt  }
0x44: {  	_ =	shalt  }
0x45: {  	_ =	shalt  }
0x46: {  	_ =	shalt  }
0x47: {  	_ =	shalt  }
0x48: {  	_ =	shalt  }
0x49: {  	_ =	shalt  }
0x4a: {  	_ =	shalt  }
0x4b: {  	_ =	shalt  }
0x4c: {  	_ =	shalt  }
0x4d: {  	_ =	shalt  }
0x4e: {  	_ =	shalt  }
0x4f: {  	_ =	shalt  }
0x50: {  	_ =	shalt  }
0x51: {  	_ =	shalt  }
0x52: {  	_ =	shalt  }
0x53: {  	_ =	shalt  }
0x54: {  	_ =	shalt  }
0x55: {  	_ =	shalt  }
0x56: {  	_ =	shalt  }
0x57: {  	_ =	shalt  }
0x58: {  	_ =	shalt  }
0x59: {  	_ =	shalt  }
0x5a: {  	_ =	shalt  }
0x5b: {  	_ =	shalt  }
0x5c: {  	_ =	shalt  }
0x5d: {  	_ =	shalt  }
0x5e: {  	_ =	shalt  }
0x5f: {  	_ =	shalt  }
0x60: {  	_ =	shalt  }
0x61: {  	_ =	shalt  }
0x62: {  	_ =	shalt  }
0x63: {  	_ =	shalt  }
0x64: {  	_ =	shalt  }
0x65: {  	_ =	shalt  }
0x66: {  	_ =	shalt  }
0x67: {  	_ =	shalt  }
0x68: {  	_ =	shalt  }
0x69: {  	_ =	shalt  }
0x6a: {  	_ =	shalt  }
0x6b: {  	_ =	shalt  }
0x6c: {  	_ =	shalt  }
0x6d: {  	_ =	shalt  }
0x6e: {  	_ =	shalt  }
0x6f: {  	_ =	shalt  }
0x70: {  	_ =	shalt  }
0x71: {  	_ =	shalt  }
0x72: {  	_ =	shalt  }
0x73: {  	_ =	shalt  }
0x74: {  	_ =	shalt  }
0x75: {  	_ =	shalt  }
0x76: {  	_ =	shalt  }
0x77: {  	_ =	shalt  }
0x78: {  	_ =	shalt  }
0x79: {  	_ =	shalt  }
0x7a: {  	_ =	shalt  }
0x7b: {  	_ =	shalt  }
0x7c: {  	_ =	shalt  }
0x7d: {  	_ =	shalt  }
0x7e: {  	_ =	shalt  }
0x7f: {  	_ =	shalt  }
0x80: {  	_ =	shalt  }
0x81: {  	_ =	shalt  }
0x82: {  	_ =	shalt  }
0x83: {  	_ =	shalt  }
0x84: {  	_ =	shalt  }
0x85: {  	_ =	shalt  }
0x86: {  	_ =	shalt  }
0x87: {  	_ =	shalt  }
.Lfunc_end0:
.L_simem_size_0:
called_computation.1_lowered:
.L_overlay_start_0:
0x88: {  	s2 =	sld [smem:$0x3FD9]  }
0x89: {  	s3 =	sld [smem:$0x3FFE];
	_ =	sdelay $0x1  }
0x8a: {  	s1 =	srdreg.scid  }
0x8b: {  	s0 =	sand.u32 $0x1, s1  }
0x8c: {  	s17 =	sshll.u32 s0, $0xA;
	s2 =	sadd.s32 s3, s2  }
0x8d: {  	s2 =	sadd.s32 s2, s17  }
0x8e: {  	[smem:$0x3FC4] =	sst s2  }
0x8f: {  	_ = 	snop  }
0x90: {  	s2 =	sld [smem:$0x3FD0];
	(tm) =	ssettm $0x1  }
0x91: {  	s18 =	sld [smem:$0x3FFB];
	_ =	sdelay $0x3  }
0x92: {  	_ =	strace s18  }
0x93: {  	s3 =	sld [smem:$0x3FFC];
	_ =	sdelay $0x3  }
0x94: {  	_ =	strace s3  }
0x95: {  	s3 =	sld [smem:$0x3FFD];
	_ =	sdelay $0x3  }
0x96: {  	_ =	strace s3  }
0x97: {  	_ =	strace $0x8FFFFFFF  }
0x98: {  	s19 =	sld [smem:$0x3FDB];
	_ =	sdelay $0x1  }
0x99: {  	s4 =	simm.s32 $_scs_section_size  }
0x9a: {  	s5 =	simm.s32 $_size__tile_overlayer_lowered;
	s6 =	simm.s32 $_tile_overlayer_lowered  }
0x9b: {  	s22 =	simm.s32 $0x1BFF;
	s21 =	sshll.u32 s6, $0x1;
	s3 =	sadd.s32 s4, s19  }
0x9c: {  	s7 =	simm.s32 $0x0;
	s20 =	sshll.u32 s5, $0x1;
	s5 =	sadd.s32 s21, s3  }
0x9d: {  	[timem:s7], [sflag:s22] =	dma.local [hbm:s5], s20  }
0x9e: {  	_ =	swait.ge [sflag:s22], s20  }
0x9f: {  	s4 =	ssub.s32 $0x0, s20;
	[sflag:s22] =	ssyncset.done $0x0  }
0xa0: {  	[sflag:s22] =	ssyncadd.s32 s4;
	_ =	sdelay $0x1  }
0xa1: {  	s23 =	simm.s32 $0x1B8B  }
0xa2: {  	_ =	swait.ge [sflag:s23], $0x1  }
0xa3: {  	[sflag:s23] =	ssyncset.done $0x0  }
0xa4: {  	s25 =	simm.s32 $0x1B8E;
	s24 =	sld [smem:$0x3FFE];
	[sflag:s23] =	ssyncadd.s32 $0xFFFFFFFF  }
0xa5: {  	s26 =	simm.s32 $execute0_lowered;
	[smem:$0x3FD2] =	sst s25  }
0xa6: {  	s5 =	sshll.u32 s26, $0x1;
	_ =	strace $0x80000049;
	[dreg:$0x1] =	wrdreg $0xFFFFFFFF  }
0xa7: {  	s28 =	simm.s32 $_size_execute0_lowered;
	s3 =	sadd.s32 s3, s5;
	[dreg:$0x0] =	wrdreg $0x0  }
0xa8: {  	s5 =	sshll.u32 s28, $0x1;
	[dreg:$0x2] =	wrdreg s3  }
0xa9: {  	[dreg:$0x3] =	wrdreg s5  }
0xaa: {  	[dreg:$0x4] =	wrdreg $0xC0  }
0xab: {  	_ =	task [dreg:s7], $0x5FFFF  }
0xac: {  	[dreg:$0x1] =	wrdreg $0xFFFFFFFF  }
0xad: {  	[dreg:$0x0] =	wrdreg $0x60  }
0xae: {  	[dreg:$0x2] =	wrdreg s24  }
0xaf: {  	[dreg:$0x3] =	wrdreg s2  }
0xb0: {  	[dreg:$0x4] =	wrdreg $0x6F000  }
0xb1: {  	[dreg:$0x5] =	wrdreg $0x96800  }
0xb2: {  	[dreg:$0x6] =	wrdreg $0x9  }
0xb3: {  	_ =	task.clear_ibuf [dreg:s7], $0x7FFFF;
	_ =	strace $0x90000049  }
0xb4: {  	s29 =	simm.s32 $0x9;
	_ =	strace $0x8000004B  }
0xb5: {  	_ =	swait.ge [sflag:s29], $0x1  }
0xb6: {  	[sflag:s29] =	ssyncadd.s32 $0xFFFFFFFF  }
0xb7: {  	_ =	strace $0x9000004B  }
0xb8: {  	_ =	sfence  }
0xb9: {  	s30 =	sld [smem:$0x0];
	_ =	sdelay $0x2  }
0xba: {  	s31 =	sshll.u32 s1, $0xD;
	s1 =	sshrl.u32 s1, $0x2  }
0xbb: {  	s3 =	sand.u32 $0x4000, s31;
	s1 =	sadd.s32 s1, s30  }
0xbc: {  	s0 =	sor.u32 s3, s0;
	s1 =	sshll.u32 s1, $0x11  }
0xbd: {  	s0 =	sor.u32 s1, s0  }
0xbe: {  	s0 =	sadd.s32 $0x8F2B, s0  }
0xbf: {  	[sflag:s0] =	ssyncadd.remote.s32 $0x1  }
0xc0: {  	_ =	sfence.sel $0xFFFF  }
0xc1: {  	[dreg:$0x0] =	wrdreg $0xFFFFFFFF;
	(pc) =	sbr.abs _section_cstart, $3  }
0xc2: {  	[dreg:$0x1] =	wrdreg $0xFFFFFFFF  }
0xc3: {  	_ =	task.clear_ibuf [dreg:s7], $0x2FFFF;
	_ =	strace $0x9FFFFFFF  }
0xc4: {  	(tm) =	ssettm $0x7FFFFFFF  }
0xc5: {  	_ =	shalt  }
tec
execute0_lowered:
.L_overlay_start_1:
0x0: {  	(tag) =	ssettag $0x1  }
0x1: {  	s0 =	rddreg [dreg:$0x0]  }
0x2: {  	s1 =	rddreg [dreg:$0x1]  }
0x3: {  	s2 =	rddreg [dreg:$0x2]  }
0x4: {  	s3 =	rddreg [dreg:$0x3];
	s5 =	simm.s32 $0x0  }
0x5: {  	s13 =	stileid.u32;
	s4 =	srdreg.scid;
	s16 =	simm.s32 $0x9  }
0x6: {  	s28 =	simm.s32 $0x6700;
	s29 =	simm.s32 $0x2;
	s31 =	simm.s32 $0x5  }
0x7: {  	s30 =	simm.s32 $0x4;
	[smem:$0x7FF] =	sst s5;
	s6 =	smul.u32 $0x2780, s13  }
0x8: {  	s4 =	sand.u32 $0x1, s4;
	s8 =	sadd.s32 $0xE00, s0;
	s10 =	sshll.u32 s13, $0x1  }
0x9: {  	p0 =	slt.u32 s13, $0xE;
	s5 =	simm.s32 $0x4E;
	s20 =	sshll.u32 s13, $0x6  }
0xa: {  	_ =	strace $0x8000004A;
	s17 =	ssub.s32 $0x2, s4;
	s18 =	sor.u32 s4, s10  }
0xb: {  	s5 =	simm.s32 @!p0 $0x4F;
	s4 =	smul.u32 $0x27800, s4;
	s7 =	sshrl.u32 s6, $0x3  }
0xc: {  	s9 =	sshrl.u32 s17, $0x1;
	s10 =	smul.u32 $0x4F, s18;
	s11 =	sadd.s32 s6, s2  }
0xd: {  	s12 =	smul.u32 $0x4E, s18;
	s23 =	sadd.s32 s6, s3;
	s18 =	simm.s32 $0x7  }
0xe: {  	s0 =	sadd.s32 s7, s0;
	s9 =	ssub.s32 s17, s9;
	s7 =	sor.u32 $0x1C09, s20  }
0xf: {  	[dreg:$0x8] =	wrdreg s23;
	s4 =	sadd.s32 s6, s4;
	s15 =	sshrl.u32 s11, $0x3  }
0x10: {  	s17 =	simm.s32 $0xBE00;
	s20 =	simm.s32 $0x80;
	s23 =	simm.s32 $0x6  }
0x11: {  	s19 =	sadd.s32 $0x14800, s0;
	s10 =	sadd.s32 $0x1FFFFE4, s10;
	s21 =	sadd.s32 $0x19800, s0  }
0x12: {  	s0 =	sadd.s32 $0x1E700, s0;
	s4 =	sshrl.u32 s4, $0x3;
	[dreg:$0x5] =	wrdreg s19  }
0x13: {  	s14 =	smax.u32 s9, $0x1;
	s10 =	smov.u32 @p0 s12;
	[dreg:$0x6] =	wrdreg s21  }
0x14: {  	[dreg:$0x7] =	wrdreg s0;
	s13 =	sadd.s32 s1, s4;
	s19 =	simm.s32 $0x2780  }
0x15: {  	s21 =	simm.s32 $0x4F00;
	s1 =	simm.s32 $0x3;
	s22 =	sshll.u32 s10, $0x7  }
0x16: {  	s24 =	sadd.s32 $0x4E200, s22;
	s0 =	sshrl.u32 s22, $0x3;
	s22 =	simm.s32 $0x5700  }
0x17: {  	s25 =	sshrl.u32 s24, $0x3;
	s0 =	sadd.s32 s8, s0;
	s24 =	simm.s32 $0x5F00  }
0x18: {  	[dreg:$0x9] =	wrdreg s0;
	s26 =	sadd.s32 s8, s25;
	s25 =	simm.s32 $0x1  }
0x19: {  	s0 =	simm.s32 $0x8;
	[dreg:$0xa] =	wrdreg s26;
	s26 =	simm.s32 $0x0  }
.LBB2_1:
0x1a: {  	s4 =	rddreg [dreg:$0x5]  }
0x1b: {  	[spmem:s15], [sflag:s7] =	dma.local [hbm:s4], $0x4F0  }
0x1c: {  	_ =	swait.ge [sflag:s16], $0x4F0  }
0x1d: {  	[sflag:s16] =	ssyncset.done $0x0  }
0x1e: {  	s11 =	simm.s32 $0x0;
	s6 =	rddreg [dreg:$0x6];
	[sflag:s16] =	ssyncadd.s32 $0xFFFFFB10  }
0x1f: {  	[tilespmem:s17], [sflag:$0x9] =	stream.linear.gather [hbm4b:s6+s11], $0x2780, $0x38;
	[tilespmem:$0x10D00] =	vst v63  }
0x20: {  	_ =	swait.ge [sflag:s16], $0x2780  }
0x21: {  	[sflag:s16] =	ssyncset.done $0x0  }
0x22: {  	s8 =	simm.s32 $0xE580;
	s12 =	rddreg [dreg:$0x7];
	[sflag:s16] =	ssyncadd.s32 $0xFFFFD880  }
0x23: {  	[tilespmem:s8], [sflag:$0x9] =	stream.linear.gather [hbm4b:s12+s11], $0x2780, $0x38;
	[tilespmem:$0x10D00] =	vst v63  }
0x24: {  	_ =	swait.ge [sflag:s16], $0x2780  }
0x25: {  	[sflag:s16] =	ssyncset.done $0x0  }
0x26: {  	s4 =	simm.s32 $0x0;
	[sflag:s16] =	ssyncadd.s32 $0xFFFFD880  }
0x27: {  	s6 =	simm.s32 $0x40;
	v0 =	vld [tilespmem:s4+$0xE580]  }
.LBB2_2:
0x28: {  	p1 =	sne.s32 s6, $0x9DC0;
	v1 =	vld [tilespmem:s4+$0xBE00];
	_ =	sdelay $0x3  }
.Ltmp0:
0x29: {  	(pc) =	sbr.rel @p1 .LBB2_2-.Ltmp0, $3  }
0x2a: {  	v0 =	vadd.f32 v0, v1;
	_ =	sdelay $0x1  }
0x2b: {  	s8 =	sshra.s32 s6, $0x2;
	v1 =	vmax.f32 v0, $0.0e+00  }
0x2c: {  	s6 =	sadd.s32 $0x40, s6;
	v0 =	vld [tilespmem:s8+$0xE580];
	[tilespmem:s4+$0xBE00] =	vst v1;
	s4 =	smov.u32 s8  }
0x2d: {  	v1 =	vld [tilespmem:s4+$0xBE00];
	_ =	sdelay $0x4  }
0x2e: {  	v0 =	vadd.f32 v0, v1;
	_ =	sdelay $0x1  }
0x2f: {  	v0 =	vmax.f32 v0, $0.0e+00  }
0x30: {  	s6 =	rddreg [dreg:$0x8];
	[tilespmem:s4+$0xBE00] =	vst v0  }
0x31: {  	[spmem:s6] =	stream.linear.scatter [tilespmem:s17], [sflag:$0x9], $0x2780, $0x38;
	[tilespmem:$0x10D00] =	vst v63  }
0x32: {  	_ =	swait.ge [sflag:s16], $0x2780  }
0x33: {  	[sflag:s16] =	ssyncset.done $0x0  }
0x34: {  	[sflag:s16] =	ssyncadd.s32 $0xFFFFD880  }
0x35: {  	[bflag:$0x0] =	sbarrier.arrive $0xFFFF  }
0x36: {  	s8 =	simm.s32 $0x0;
	s6 =	rddreg [dreg:$0x9]  }
0x37: {  	[tilespmem:s8], [sflag:$0x9] =	stream.linear.gather [hbm4b:s6+s8], $0x2780, $0x38;
	[tilespmem:$0x10D00] =	vst v63  }
0x38: {  	_ =	swait.ge [sflag:s16], $0x2780  }
0x39: {  	[sflag:s16] =	ssyncset.done $0x0  }
0x3a: {  	s9 =	rddreg [dreg:$0xa];
	[sflag:s16] =	ssyncadd.s32 $0xFFFFD880  }
0x3b: {  	[tilespmem:s19], [sflag:$0x9] =	stream.linear.gather [hbm4b:s9+s8], $0x2780, $0x38;
	[tilespmem:$0x10D00] =	vst v63  }
0x3c: {  	_ =	swait.ge [sflag:s16], $0x2780  }
0x3d: {  	[sflag:s16] =	ssyncset.done $0x0  }
0x3e: {  	[sflag:s16] =	ssyncadd.s32 $0xFFFFD880  }
0x3f: {  	[tilespmem:s21], [sflag:$0x1] =	stream.indirect.gather [spmem:s3], $0x10, s8, s20, $0xb8;
	[tilespmem:$0x10D00] =	vst v63  }
0x40: {  	_ = 	snop  }
0x41: {  	[tilespmem:s22], [sflag:$0x2] =	stream.indirect.gather [spmem:s3], $0x10, s20, s20, $0xb8;
	[tilespmem:$0x10D00] =	vst v63  }
0x42: {  	s10 =	simm.s32 $0x100  }
0x43: {  	[tilespmem:s24], [sflag:$0x3] =	stream.indirect.gather [spmem:s3], $0x10, s10, s20, $0xb8;
	[tilespmem:$0x10D00] =	vst v63  }
0x44: {  	_ =	swait.ge [sflag:s25], $0x800  }
0x45: {  	[sflag:s25] =	ssyncset.done $0x0  }
0x46: {  	[sflag:s25] =	ssyncadd.s32 $0xFFFFF800  }
0x47: {  	[spmem:s2] =	stream.indirect.scatter.add.f32 [tilespmem:s21], [sflag:$0x5], $0x10, s19, s20, $0xb8;
	[tilespmem:$0x10D00] =	vst v63  }
0x48: {  	s11 =	simm.s32 $0x180  }
0x49: {  	[tilespmem:s28], [sflag:$0x4] =	stream.indirect.gather [spmem:s3], $0x10, s11, s20, $0xb8;
	[tilespmem:$0x10D00] =	vst v63  }
0x4a: {  	_ =	swait.ge [sflag:s29], $0x800  }
0x4b: {  	[sflag:s29] =	ssyncset.done $0x0  }
0x4c: {  	s12 =	simm.s32 $0x2800;
	[sflag:s29] =	ssyncadd.s32 $0xFFFFF800  }
0x4d: {  	[spmem:s2] =	stream.indirect.scatter.add.f32 [tilespmem:s22], [sflag:$0x6], $0x10, s12, s20, $0xb8;
	[tilespmem:$0x10D00] =	vst v63  }
0x4e: {  	_ =	swait.ge [sflag:s31], $0x800  }
0x4f: {  	[sflag:s31] =	ssyncset.done $0x0  }
0x50: {  	s6 =	simm.s32 $0x200;
	[sflag:s31] =	ssyncadd.s32 $0xFFFFF800  }
0x51: {  	[tilespmem:s21], [sflag:$0x1] =	stream.indirect.gather [spmem:s3], $0x10, s6, s20, $0xb8;
	[tilespmem:$0x10D00] =	vst v63  }
0x52: {  	_ =	swait.ge [sflag:s1], $0x800  }
0x53: {  	[sflag:s1] =	ssyncset.done $0x0  }
0x54: {  	s8 =	simm.s32 $0x2880;
	[sflag:s1] =	ssyncadd.s32 $0xFFFFF800  }
0x55: {  	[spmem:s2] =	stream.indirect.scatter.add.f32 [tilespmem:s24], [sflag:$0x7], $0x10, s8, s20, $0xb8;
	[tilespmem:$0x10D00] =	vst v63  }
0x56: {  	_ =	swait.ge [sflag:s23], $0x800  }
0x57: {  	[sflag:s23] =	ssyncset.done $0x0  }
0x58: {  	s9 =	simm.s32 $0x280;
	[sflag:s23] =	ssyncadd.s32 $0xFFFFF800  }
0x59: {  	[tilespmem:s22], [sflag:$0x2] =	stream.indirect.gather [spmem:s3], $0x10, s9, s20, $0xb8;
	[tilespmem:$0x10D00] =	vst v63  }
0x5a: {  	_ =	swait.ge [sflag:s30], $0x800  }
0x5b: {  	[sflag:s30] =	ssyncset.done $0x0  }
0x5c: {  	s10 =	simm.s32 $0x2900;
	[sflag:s30] =	ssyncadd.s32 $0xFFFFF800  }
0x5d: {  	[spmem:s2] =	stream.indirect.scatter.add.f32 [tilespmem:s28], [sflag:$0x8], $0x10, s10, s20, $0xb8;
	[tilespmem:$0x10D00] =	vst v63  }
0x5e: {  	_ =	swait.ge [sflag:s18], $0x800  }
0x5f: {  	[sflag:s18] =	ssyncset.done $0x0  }
0x60: {  	s11 =	simm.s32 $0x300;
	[sflag:s18] =	ssyncadd.s32 $0xFFFFF800  }
0x61: {  	[tilespmem:s24], [sflag:$0x3] =	stream.indirect.gather [spmem:s3], $0x10, s11, s20, $0xb8;
	[tilespmem:$0x10D00] =	vst v63  }
0x62: {  	_ =	swait.ge [sflag:s25], $0x800  }
0x63: {  	[sflag:s25] =	ssyncset.done $0x0  }
0x64: {  	s12 =	simm.s32 $0x2980;
	[sflag:s25] =	ssyncadd.s32 $0xFFFFF800  }
0x65: {  	[spmem:s2] =	stream.indirect.scatter.add.f32 [tilespmem:s21], [sflag:$0x5], $0x10, s12, s20, $0xb8;
	[tilespmem:$0x10D00] =	vst v63  }
0x66: {  	_ =	swait.ge [sflag:s0], $0x800  }
0x67: {  	[sflag:s0] =	ssyncset.done $0x0  }
0x68: {  	s6 =	simm.s32 $0x380;
	[sflag:s0] =	ssyncadd.s32 $0xFFFFF800  }
0x69: {  	[tilespmem:s28], [sflag:$0x4] =	stream.indirect.gather [spmem:s3], $0x10, s6, s20, $0xb8;
	[tilespmem:$0x10D00] =	vst v63  }
0x6a: {  	_ =	swait.ge [sflag:s29], $0x800  }
0x6b: {  	[sflag:s29] =	ssyncset.done $0x0  }
0x6c: {  	s8 =	simm.s32 $0x2A00;
	[sflag:s29] =	ssyncadd.s32 $0xFFFFF800  }
0x6d: {  	[spmem:s2] =	stream.indirect.scatter.add.f32 [tilespmem:s22], [sflag:$0x6], $0x10, s8, s20, $0xb8;
	[tilespmem:$0x10D00] =	vst v63  }
0x6e: {  	_ =	swait.ge [sflag:s31], $0x800  }
0x6f: {  	[sflag:s31] =	ssyncset.done $0x0  }
0x70: {  	s9 =	simm.s32 $0x400;
	[sflag:s31] =	ssyncadd.s32 $0xFFFFF800  }
0x71: {  	[tilespmem:s21], [sflag:$0x1] =	stream.indirect.gather [spmem:s3], $0x10, s9, s20, $0xb8;
	[tilespmem:$0x10D00] =	vst v63  }
0x72: {  	_ =	swait.ge [sflag:s1], $0x800  }
0x73: {  	[sflag:s1] =	ssyncset.done $0x0  }
0x74: {  	s10 =	simm.s32 $0x2A80;
	[sflag:s1] =	ssyncadd.s32 $0xFFFFF800  }
0x75: {  	[spmem:s2] =	stream.indirect.scatter.add.f32 [tilespmem:s24], [sflag:$0x7], $0x10, s10, s20, $0xb8;
	[tilespmem:$0x10D00] =	vst v63  }
0x76: {  	_ =	swait.ge [sflag:s23], $0x800  }
0x77: {  	[sflag:s23] =	ssyncset.done $0x0  }
0x78: {  	s11 =	simm.s32 $0x480;
	[sflag:s23] =	ssyncadd.s32 $0xFFFFF800  }
0x79: {  	[tilespmem:s22], [sflag:$0x2] =	stream.indirect.gather [spmem:s3], $0x10, s11, s20, $0xb8;
	[tilespmem:$0x10D00] =	vst v63  }
0x7a: {  	_ =	swait.ge [sflag:s30], $0x800  }
0x7b: {  	p2 =	sle.u32 s5, $0xA;
	s4 =	simm.s32 $0xA;
	[sflag:s30] =	ssyncset.done $0x0  }
0x7c: {  	s12 =	simm.s32 $0x2B00;
	s9 =	simm.s32 @!p2 $0x7;
	[sflag:s30] =	ssyncadd.s32 $0xFFFFF800  }
0x7d: {  	[spmem:s2] =	stream.indirect.scatter.add.f32 [tilespmem:s28], [sflag:$0x8], $0x10, s12, s20, $0xb8;
	[tilespmem:$0x10D00] =	vst v63  }
0x7e: {  	s6 =	simm.s32 $0x800;
	s10 =	simm.s32 @!p2 $0x500;
	_ =	swait.ge @!p2 [sflag:s9], $0x800  }
0x7f: {  	s11 =	simm.s32 @!p2 $0x80;
	s12 =	simm.s32 @!p2 $0x5F00;
	[sflag:s9] =	ssyncset.done @!p2 $0x0  }
.LBB2_4:
0x80: {  	[sflag:s9] =	ssyncadd.s32 @!p2 $0xFFFFF800  }
0x81: {  	s4 =	sadd.s32 $0x4, s4;
	s8 =	smov.u32 s6;
	s6 =	sadd.s32 $0x800, s6  }
0x82: {  	[tilespmem:s12], [sflag:$0x3] =	stream.indirect.gather @!p2 [spmem:s3], $0x10, s10, s11, $0xb8;
	[tilespmem:$0x10D00] =	vst v63  }
0x83: {  	p1 =	sne.s32 s6, $0x9000;
	_ =	swait.ge [sflag:s25], $0x800  }
0x84: {  	s9 =	sshra.s32 s8, $0x2;
	[sflag:s25] =	ssyncset.done $0x0  }
0x85: {  	s10 =	sadd.s32 $0x2980, s9;
	[sflag:s25] =	ssyncadd.s32 $0xFFFFF800  }
0x86: {  	[spmem:s2] =	stream.indirect.scatter.add.f32 [tilespmem:s21], [sflag:$0x5], $0x10, s10, s20, $0xb8;
	[tilespmem:$0x10D00] =	vst v63  }
0x87: {  	_ =	swait.ge [sflag:s0], $0x800  }
0x88: {  	[sflag:s0] =	ssyncset.done $0x0  }
0x89: {  	s10 =	sadd.s32 $0x380, s9;
	[sflag:s0] =	ssyncadd.s32 $0xFFFFF800  }
0x8a: {  	[tilespmem:s28], [sflag:$0x4] =	stream.indirect.gather [spmem:s3], $0x10, s10, s20, $0xb8;
	[tilespmem:$0x10D00] =	vst v63  }
0x8b: {  	_ =	swait.ge [sflag:s29], $0x800  }
0x8c: {  	[sflag:s29] =	ssyncset.done $0x0  }
0x8d: {  	s10 =	sadd.s32 $0x2A00, s9;
	[sflag:s29] =	ssyncadd.s32 $0xFFFFF800  }
0x8e: {  	[spmem:s2] =	stream.indirect.scatter.add.f32 [tilespmem:s22], [sflag:$0x6], $0x10, s10, s20, $0xb8;
	[tilespmem:$0x10D00] =	vst v63  }
0x8f: {  	_ =	swait.ge [sflag:s31], $0x800  }
0x90: {  	[sflag:s31] =	ssyncset.done $0x0  }
0x91: {  	s10 =	sadd.s32 $0x400, s9;
	[sflag:s31] =	ssyncadd.s32 $0xFFFFF800  }
0x92: {  	[tilespmem:s21], [sflag:$0x1] =	stream.indirect.gather [spmem:s3], $0x10, s10, s20, $0xb8;
	[tilespmem:$0x10D00] =	vst v63  }
0x93: {  	_ =	swait.ge [sflag:s1], $0x800  }
0x94: {  	[sflag:s1] =	ssyncset.done $0x0  }
0x95: {  	s10 =	sadd.s32 $0x2A80, s9;
	[sflag:s1] =	ssyncadd.s32 $0xFFFFF800  }
0x96: {  	[spmem:s2] =	stream.indirect.scatter.add.f32 [tilespmem:s24], [sflag:$0x7], $0x10, s10, s20, $0xb8;
	[tilespmem:$0x10D00] =	vst v63  }
0x97: {  	_ =	swait.ge [sflag:s23], $0x800  }
0x98: {  	[sflag:s23] =	ssyncset.done $0x0  }
0x99: {  	s10 =	sadd.s32 $0x480, s9;
	[sflag:s23] =	ssyncadd.s32 $0xFFFFF800  }
0x9a: {  	[tilespmem:s22], [sflag:$0x2] =	stream.indirect.gather [spmem:s3], $0x10, s10, s20, $0xb8;
	[tilespmem:$0x10D00] =	vst v63  }
0x9b: {  	_ =	swait.ge [sflag:s30], $0x800  }
0x9c: {  	p2 =	sge.u32 s4, s5;
	[sflag:s30] =	ssyncset.done $0x0  }
.Ltmp1:
0x9d: {  	s9 =	sadd.s32 $0x2B00, s9;
	[sflag:s30] =	ssyncadd.s32 $0xFFFFF800;
	(pc) =	sbr.rel @p1 .LBB2_4-.Ltmp1, $4  }
0x9e: {  	[spmem:s2] =	stream.indirect.scatter.add.f32 [tilespmem:s28], [sflag:$0x8], $0x10, s9, s20, $0xb8;
	[tilespmem:$0x10D00] =	vst v63  }
0x9f: {  	s8 =	sshra.s32 @!p2 s8, $0x2;
	s9 =	simm.s32 @!p2 $0x7  }
0xa0: {  	s10 =	sadd.s32 @!p2 $0x500, s8;
	_ =	swait.ge @!p2 [sflag:s9], $0x800  }
0xa1: {  	s11 =	simm.s32 @!p2 $0x80;
	s12 =	simm.s32 @!p2 $0x5F00;
	[sflag:s9] =	ssyncset.done @!p2 $0x0  }
0xa2: {  	[sflag:s9] =	ssyncadd.s32 @!p2 $0xFFFFF800  }
0xa3: {  	[tilespmem:s12], [sflag:$0x3] =	stream.indirect.gather @!p2 [spmem:s3], $0x10, s10, s11, $0xb8;
	[tilespmem:$0x10D00] =	vst v63  }
0xa4: {  	_ =	swait.ge [sflag:s25], $0x800  }
0xa5: {  	[sflag:s25] =	ssyncset.done $0x0  }
0xa6: {  	s4 =	simm.s32 $0x4D80;
	[sflag:s25] =	ssyncadd.s32 $0xFFFFF800  }
0xa7: {  	[spmem:s2] =	stream.indirect.scatter.add.f32 [tilespmem:s21], [sflag:$0x5], $0x10, s4, s20, $0xb8;
	[tilespmem:$0x10D00] =	vst v63  }
0xa8: {  	_ =	swait.ge [sflag:s29], $0x800  }
0xa9: {  	[sflag:s29] =	ssyncset.done $0x0  }
0xaa: {  	s12 =	simm.s32 $0x4E00;
	s4 =	simm.s32 @!p0 $0x3;
	[sflag:s29] =	ssyncadd.s32 $0xFFFFF800  }
0xab: {  	[spmem:s2] =	stream.indirect.scatter.add.f32 [tilespmem:s22], [sflag:$0x6], $0x10, s12, s20, $0xb8;
	[tilespmem:$0x10D00] =	vst v63  }
0xac: {  	_ =	swait.ge @!p0 [sflag:s4], $0x800  }
0xad: {  	s6 =	simm.s32 @!p0 $0x4E80;
	[sflag:s4] =	ssyncset.done @!p0 $0x0  }
0xae: {  	s8 =	simm.s32 @!p0 $0x5F00;
	[sflag:s4] =	ssyncadd.s32 @!p0 $0xFFFFF800;
	s4 =	simm.s32 @!p0 $0x80  }
0xaf: {  	[spmem:s2] =	stream.indirect.scatter.add.f32 @!p0 [tilespmem:s8], [sflag:$0x7], $0x10, s6, s4, $0xb8;
	[tilespmem:$0x10D00] =	vst v63  }
0xb0: {  	_ =	swait.ge [sflag:s31], $0x800  }
0xb1: {  	[sflag:s31] =	ssyncset.done $0x0  }
0xb2: {  	[sflag:s31] =	ssyncadd.s32 $0xFFFFF800  }
0xb3: {  	_ =	swait.ge [sflag:s23], $0x800  }
0xb4: {  	[sflag:s23] =	ssyncset.done $0x0  }
0xb5: {  	[sflag:s23] =	ssyncadd.s32 $0xFFFFF800  }
0xb6: {  	_ =	swait.ge [sflag:s18], $0x800  }
0xb7: {  	[sflag:s18] =	ssyncset.done $0x0  }
0xb8: {  	[sflag:s18] =	ssyncadd.s32 $0xFFFFF800  }
0xb9: {  	_ =	swait.ge [sflag:s0], $0x800  }
0xba: {  	s26 =	sadd.s32 $0x1, s26;
	[sflag:s0] =	ssyncset.done $0x0  }
0xbb: {  	p1 =	sne.s32 s26, s14;
	[sflag:s0] =	ssyncadd.s32 $0xFFFFF800  }
.Ltmp2:
0xbc: {  	[bflag:$0x0] =	sbarrier.arrive $0xFFFF;
	(pc) =	sbr.rel @p1 .LBB2_1-.Ltmp2, $4  }
0xbd: {  	[hbm:s13], [sflag:s7] =	dma.local [spmem:s15], $0x4F0  }
0xbe: {  	_ =	swait.ge [sflag:s16], $0x4F0  }
0xbf: {  	[sflag:s16] =	ssyncset.done $0x0  }
0xc0: {  	[sflag:s16] =	ssyncadd.s32 $0xFFFFFB10  }
0xc1: {  	_ =	sfence.sel $0x180000  }
0xc2: {  	[bflag:$0x0] =	sbarrier.arrive $0xFFFF  }
0xc3: {  	_ =	strace $0x9000004A  }
0xc4: {  	s0 =	stileid.u32;
	[bflag:$0x2] =	sbarrier.arrive $0xFFFF  }
0xc5: {  	p0 =	sne.s32 s0, $0x0;
	s0 =	rddreg [dreg:$0x4]  }
0xc6: {  	s0 =	sadd.s32 @!p0 $0x100000, s0  }
0xc7: {  	[sflag:s0] =	ssyncadd.tile.s32 @!p0 $0x1;
	_ =	shalt  }
.Lfunc_end2:
_tile_overlayer_lowered:
.L_overlay_start_2:
0xc8: {  	(tag) =	ssettag $0x2  }
0xc9: {  	s0 =	rddreg [dreg:$0x0];
	s2 =	stileid.u32  }
0xca: {  	s1 =	rddreg [dreg:$0x1];
	p0 =	sne.s32 s2, $0x0  }
0xcb: {  	s3 =	rddreg [dreg:$0x2];
	[bflag:$0x3] =	sbarrier.arrive $0xFFFF;
	s2 =	simm.s32 @!p0 $0x1C09  }
0xcc: {  	[timem:s3], [sflag:s2] =	dma.local @!p0 [hbm:s0], s1  }
0xcd: {  	s0 =	simm.s32 @!p0 $0x9  }
0xce: {  	_ =	swait.ge @!p0 [sflag:s0], s1  }
0xcf: {  	s1 =	ssub.s32 @!p0 $0x0, s1;
	[sflag:s0] =	ssyncset.done @!p0 $0x0  }
0xd0: {  	[sflag:s0] =	ssyncadd.s32 @!p0 s1  }
0xd1: {  	[bflag:$0x3] =	sbarrier.arrive $0xFFFF  }
0xd2: {  	_ =	shalt  }

</sc_bundles>
